<compile_context>
chip_gen: v7x
topology: tpu7x:2x2x1
jax: 0.10.2.dev20260603
libtpu: 0.0.44.dev20260713+nightly
codegen_flags: <defaults>
</compile_context>

<pallas_src>
import functools

import jax
import jax.numpy as jnp
from jax import lax
from jax.experimental import pallas as pl
from jax.experimental.pallas import tpu as pltpu
from jax.experimental.pallas import tpu_sc as plsc

N = 10000
D = 128
E = 320000
DH = D // 2

NC = 2
NS = 16
NW = NC * NS
ECHUNK = 1000
NCH_DEG = E // NW // ECHUNK
NCH = E // NS // ECHUNK
NHALF = 2
NCH_H = NCH // NHALF
NBUF = 2
KFIRE = 5
STRIPE = 624
TAIL = N - NS * STRIPE

_MESH = plsc.VectorSubcoreMesh(
    core_axis_name="c", subcore_axis_name="s", num_cores=NC, num_subcores=NS
)


@functools.partial(
    pl.kernel,
    out_type=jax.ShapeDtypeStruct((NC, N, 16), jnp.float32),
    mesh=_MESH,
    compiler_params=pltpu.CompilerParams(use_tc_tiling_on_sc=False),
    scratch_types=[
        pltpu.VMEM((STRIPE, 16), jnp.float32),
        pltpu.VMEM((ECHUNK, 16), jnp.float32),
        pltpu.VMEM((NCH_DEG, 1, ECHUNK), jnp.int32),
        pltpu.VMEM_SHARED((N, 16), jnp.float32),
        pltpu.SemaphoreType.DMA,
    ],
)
def _deg_kernel(edge_hbm, out_hbm, z_v, o_v, dst_v, acc, sem):
    cid = lax.axis_index("c")
    sid = lax.axis_index("s")
    row0 = sid * STRIPE

    def zbody(i, _):
        z_v[i] = jnp.zeros((16,), jnp.float32)
        return 0
    lax.fori_loop(0, STRIPE, zbody, 0)

    def obody(i, _):
        o_v[i] = jnp.ones((16,), jnp.float32)
        return 0
    lax.fori_loop(0, ECHUNK, obody, 0)

    pltpu.sync_copy(z_v, acc.at[pl.ds(row0, STRIPE)])

    @pl.when(sid == 0)
    def _():
        pltpu.sync_copy(z_v.at[pl.ds(0, TAIL)], acc.at[pl.ds(NS * STRIPE, TAIL)])

    pltpu.sync_copy(edge_hbm.at[1, sid, pl.ds(cid * NCH_DEG, NCH_DEG)], dst_v)
    plsc.subcore_barrier()

    for g in range(NCH_DEG // KFIRE):
        for k in range(KFIRE):
            pltpu.async_copy(o_v, acc.at[dst_v.at[g * KFIRE + k, 0]],
                             sem, add=True)
        for k in range(KFIRE):
            pltpu.make_async_copy(o_v, acc.at[dst_v.at[g * KFIRE + k, 0]],
                                  sem).wait()

    plsc.subcore_barrier()
    pltpu.sync_copy(
        acc.at[pl.ds(row0, STRIPE)],
        out_hbm.at[cid, pl.ds(row0, STRIPE)],
    )

    @pl.when(sid == 0)
    def _():
        pltpu.sync_copy(
            acc.at[pl.ds(NS * STRIPE, TAIL)],
            out_hbm.at[cid, pl.ds(NS * STRIPE, TAIL)],
        )


@functools.partial(
    pl.kernel,
    out_type=jax.ShapeDtypeStruct((NC, N, DH), jnp.bfloat16),
    mesh=_MESH,
    compiler_params=pltpu.CompilerParams(use_tc_tiling_on_sc=False),
    scratch_types=[
        pltpu.VMEM((NCH_H, 1, ECHUNK), jnp.int32),
        pltpu.VMEM((NCH_H, 1, ECHUNK), jnp.int32),
        [pltpu.VMEM((ECHUNK, DH), jnp.bfloat16) for _ in range(NBUF)],
        [pltpu.SemaphoreType.DMA for _ in range(NBUF)],
        pltpu.VMEM_SHARED((N, DH), jnp.bfloat16),
    ],
)
def _edge_kernel(y_hbm, edge_hbm, out_hbm,
                 src_v, dst_v, rows, gsems, acc):
    cid = lax.axis_index("c")
    sid = lax.axis_index("s")
    row0 = sid * STRIPE

    pltpu.sync_copy(y_hbm.at[cid, pl.ds(row0, STRIPE)],
                    acc.at[pl.ds(row0, STRIPE)])

    @pl.when(sid == 0)
    def _():
        pltpu.sync_copy(y_hbm.at[cid, pl.ds(NS * STRIPE, TAIL)],
                        acc.at[pl.ds(NS * STRIPE, TAIL)])

    plsc.subcore_barrier()

    for h in range(NHALF):
        pltpu.sync_copy(edge_hbm.at[0, sid, pl.ds(h * NCH_H, NCH_H)], src_v)
        pltpu.sync_copy(edge_hbm.at[1, sid, pl.ds(h * NCH_H, NCH_H)], dst_v)

        for b in range(NBUF):
            pltpu.async_copy(y_hbm.at[cid].at[src_v.at[b, 0]], rows[b], gsems[b])

        def body(g, _):
            for b in range(NBUF):
                j = g * NBUF + b
                pltpu.make_async_copy(y_hbm.at[cid].at[src_v.at[j, 0]],
                                      rows[b], gsems[b]).wait()
                pltpu.sync_copy(rows[b], acc.at[dst_v.at[j, 0]], add=True)

                @pl.when(j + NBUF < NCH_H)
                def _():
                    pltpu.async_copy(y_hbm.at[cid].at[src_v.at[j + NBUF, 0]],
                                     rows[b], gsems[b])
            return 0
        lax.fori_loop(0, NCH_H // NBUF, body, 0)

    plsc.subcore_barrier()
    pltpu.sync_copy(
        acc.at[pl.ds(row0, STRIPE)],
        out_hbm.at[cid, pl.ds(row0, STRIPE)],
    )

    @pl.when(sid == 0)
    def _():
        pltpu.sync_copy(
            acc.at[pl.ds(NS * STRIPE, TAIL)],
            out_hbm.at[cid, pl.ds(NS * STRIPE, TAIL)],
        )


_BM = 2000


def _dinv_from_parts(dp):
    deg = dp[0, :, 0:1] + dp[1, :, 0:1] + 1.0
    return lax.rsqrt(deg)


def _matmul_body(x_ref, w_ref, dp_ref, y_ref):
    xw = jnp.dot(x_ref[...], w_ref[0], preferred_element_type=jnp.float32)
    y_ref[...] = (xw * _dinv_from_parts(dp_ref[...]))[None].astype(jnp.bfloat16)


def _finish_body(sp_ref, dp_ref, b_ref, a_ref, o_ref):
    dinv = _dinv_from_parts(dp_ref[...])
    s = jnp.concatenate([sp_ref[0], sp_ref[1]], axis=-1).astype(jnp.float32)
    o = s * dinv + b_ref[...]
    o_ref[...] = jnp.where(o >= 0.0, o, a_ref[...] * o)


def kernel(x, edge_index, W, b, prelu_alpha):
    edges = edge_index.astype(jnp.int32).reshape(2, NS, NCH, 1, ECHUNK)

    deg_parts = _deg_kernel(edges)

    y_halves = pl.pallas_call(
        _matmul_body,
        grid=(NC, N // _BM),
        in_specs=[
            pl.BlockSpec((_BM, D), lambda h, i: (i, 0)),
            pl.BlockSpec((1, D, DH), lambda h, i: (h, 0, 0)),
            pl.BlockSpec((NC, _BM, 16), lambda h, i: (0, i, 0)),
        ],
        out_specs=pl.BlockSpec((1, _BM, DH), lambda h, i: (h, i, 0)),
        out_shape=jax.ShapeDtypeStruct((NC, N, DH), jnp.bfloat16),
    )(x, W.reshape(D, NC, DH).transpose(1, 0, 2), deg_parts)

    s_parts = _edge_kernel(y_halves, edges)

    out = pl.pallas_call(
        _finish_body,
        grid=(N // _BM,),
        in_specs=[
            pl.BlockSpec((NC, _BM, DH), lambda i: (0, i, 0)),
            pl.BlockSpec((NC, _BM, 16), lambda i: (0, i, 0)),
            pl.BlockSpec((D,), lambda i: (0,)),
            pl.BlockSpec((D,), lambda i: (0,)),
        ],
        out_specs=pl.BlockSpec((_BM, D), lambda i: (i, 0)),
        out_shape=jax.ShapeDtypeStruct((N, D), jnp.float32),
    )(s_parts, deg_parts, b, prelu_alpha)

    return out

# --- scband reference (transcript-rebuilt; emitter-appended) ---
"""Pipeline reference for scband-encoder-14955076125205 (READ-ONLY COPY).

The authoritative reference and input builder live on the scoring server;
editing this copy changes nothing except your own understanding.
"""

import jax, jax.numpy as jnp
import numpy as np

N_NODES = 10000
D_IN = 128
D_HID = 128
N_EDGES = 320000


def setup_inputs(seed: int = 0) -> dict:
    key = jax.random.key(seed)
    k1, k2, k3, k4 = jax.random.split(key, 4)
    x = jax.random.normal(k1, (N_NODES, D_IN), dtype=jnp.float32)
    edge_index = jax.random.randint(k2, (2, N_EDGES), 0, N_NODES, dtype=jnp.int64)
    # GCNConv linear weight (glorot-ish) and bias
    W = jax.random.normal(k3, (D_IN, D_HID), dtype=jnp.float32) * (1.0 / np.sqrt(D_IN))
    b = jnp.zeros((D_HID,), dtype=jnp.float32)
    # PReLU per-channel slope (torch default init 0.25)
    prelu_alpha = jnp.full((D_HID,), 0.25, dtype=jnp.float32)
    return {"x": x, "edge_index": edge_index, "W": W, "b": b, "prelu_alpha": prelu_alpha}


def reference(x, edge_index, W, b, prelu_alpha):
    N = x.shape[0]
    src = edge_index[0]
    dst = edge_index[1]
    # add self-loops (GCNConv default)
    loop = jnp.arange(N, dtype=edge_index.dtype)
    src = jnp.concatenate([src, loop])
    dst = jnp.concatenate([dst, loop])
    # symmetric normalization deg^{-1/2} A_hat deg^{-1/2}
    deg = jnp.zeros((N,), dtype=jnp.float32).at[dst].add(1.0)
    deg_inv_sqrt = jnp.where(deg > 0, deg ** -0.5, 0.0)
    norm = deg_inv_sqrt[src] * deg_inv_sqrt[dst]
    # linear transform then gather-scatter aggregation
    xw = x @ W
    msg = xw[src] * norm[:, None]
    agg = jnp.zeros((N, W.shape[1]), dtype=jnp.float32).at[dst].add(msg)
    out = agg + b
    # PReLU
    out = jnp.where(out >= 0, out, prelu_alpha * out)
    return out

if __name__ == "__main__":
    import jax
    _d = setup_inputs()
    print(jax.jit(kernel)(*tuple(_d.values())))

</pallas_src>

<mosaic_0001>
#map = affine_map<(d0, d1) -> (0, 0, 0)>
#map1 = affine_map<(d0, d1) -> (0, 0, 0, 0, 0)>
module attributes {stable_mosaic.version = 14 : i64} {
  func.func @_edge_kernel(%arg0: i32, %arg1: i32, %arg2: memref<2x10000x64xbf16, #tpu.memory_space<hbm>>, %arg3: memref<2x16x20x1x1000xi32, #tpu.memory_space<hbm>>, %arg4: memref<2x10000x64xbf16, #tpu.memory_space<hbm>>, %arg5: memref<10x1x1000xi32, #tpu.memory_space<vmem>>, %arg6: memref<10x1x1000xi32, #tpu.memory_space<vmem>>, %arg7: memref<1000x64xbf16, #tpu.memory_space<vmem>>, %arg8: memref<1000x64xbf16, #tpu.memory_space<vmem>>, %arg9: memref<!tpu.dma_semaphore, #tpu.memory_space<semaphore_mem>>, %arg10: memref<!tpu.dma_semaphore, #tpu.memory_space<semaphore_mem>>, %arg11: memref<10000x64xbf16, #tpu.memory_space<vmem_shared>>) attributes {dimension_semantics = [#tpu.dimension_semantics<core_parallel>, #tpu.dimension_semantics<subcore_parallel>], iteration_bounds = array<i64: 2, 16>, scalar_prefetch = 0 : i64, scratch_operands = 7 : i64, tpu.core_type = #tpu.core_type<sc_vector_subcore>, window_params = [{transform_indices = #map}, {transform_indices = #map1}, {transform_indices = #map}]} {
    %mul3A = arith.constant 624 : i32
    %mul3A_0 = arith.muli %arg1, %mul3A : i32
    "tpu.region"() ({
      %run_scoped3A_72 = tpu.sem_alloc : memref<!tpu.dma_semaphore, #tpu.memory_space<semaphore_mem>>
      %dma_start3A_73 = arith.constant 0 : i32
      %dma_start3A_74 = tpu.memref_slice %arg11[%mul3A_0, %dma_start3A_73] : memref<10000x64xbf16, #tpu.memory_space<vmem_shared>> -> memref<624x64xbf16, #tpu.memory_space<vmem_shared>>
      %dma_start3A_75 = arith.constant 0 : i32
      %dma_start3A_76 = tpu.memref_slice %arg2[%arg0, %mul3A_0, %dma_start3A_75] : memref<2x10000x64xbf16, #tpu.memory_space<hbm>> -> memref<1x624x64xbf16, #tpu.memory_space<hbm>>
      %dma_start3A_77 = tpu.memref_squeeze %dma_start3A_76 : memref<1x624x64xbf16, #tpu.memory_space<hbm>> -> memref<624x64xbf16, #tpu.memory_space<hbm>>
      tpu.enqueue_dma source(%dma_start3A_77 : memref<624x64xbf16, #tpu.memory_space<hbm>>) target(%dma_start3A_74 : memref<624x64xbf16, #tpu.memory_space<vmem_shared>>) target_semaphore(%run_scoped3A_72 : memref<!tpu.dma_semaphore, #tpu.memory_space<semaphore_mem>>)
      %dma_wait3A = arith.constant 0 : i32
      %dma_wait3A_78 = tpu.memref_slice %arg11[%mul3A_0, %dma_wait3A] : memref<10000x64xbf16, #tpu.memory_space<vmem_shared>> -> memref<624x64xbf16, #tpu.memory_space<vmem_shared>>
      %dma_wait3A_79 = arith.constant 0 : i32
      %dma_wait3A_80 = tpu.memref_slice %arg2[%arg0, %mul3A_0, %dma_wait3A_79] : memref<2x10000x64xbf16, #tpu.memory_space<hbm>> -> memref<1x624x64xbf16, #tpu.memory_space<hbm>>
      %dma_wait3A_81 = tpu.memref_squeeze %dma_wait3A_80 : memref<1x624x64xbf16, #tpu.memory_space<hbm>> -> memref<624x64xbf16, #tpu.memory_space<hbm>>
      tpu.wait_dma2 semaphore(%run_scoped3A_72 : memref<!tpu.dma_semaphore, #tpu.memory_space<semaphore_mem>>) src(%dma_wait3A_81 : memref<624x64xbf16, #tpu.memory_space<hbm>>) dst(%dma_wait3A_78 : memref<624x64xbf16, #tpu.memory_space<vmem_shared>>)
      tpu.yield
    }) : () -> ()
    %eq3A = arith.constant 0 : i32
    %eq3A_1 = arith.cmpi eq, %arg1, %eq3A : i32
    %convert_element_type3A = arith.extui %eq3A_1 : i1 to i32
    %cond3A = arith.constant 0 : i32
    %cond3A_2 = arith.cmpi ne, %convert_element_type3A, %cond3A : i32
    scf.if %cond3A_2 {
      "tpu.region"() ({
        %run_scoped3A_72 = tpu.sem_alloc : memref<!tpu.dma_semaphore, #tpu.memory_space<semaphore_mem>>
        %dma_start3A_73 = arith.constant 9984 : i32
        %dma_start3A_74 = arith.constant 0 : i32
        %dma_start3A_75 = tpu.memref_slice %arg11[%dma_start3A_73, %dma_start3A_74] : memref<10000x64xbf16, #tpu.memory_space<vmem_shared>> -> memref<16x64xbf16, #tpu.memory_space<vmem_shared>>
        %dma_start3A_76 = arith.constant 9984 : i32
        %dma_start3A_77 = arith.constant 0 : i32
        %dma_start3A_78 = tpu.memref_slice %arg2[%arg0, %dma_start3A_76, %dma_start3A_77] : memref<2x10000x64xbf16, #tpu.memory_space<hbm>> -> memref<1x16x64xbf16, #tpu.memory_space<hbm>>
        %dma_start3A_79 = tpu.memref_squeeze %dma_start3A_78 : memref<1x16x64xbf16, #tpu.memory_space<hbm>> -> memref<16x64xbf16, #tpu.memory_space<hbm>>
        tpu.enqueue_dma source(%dma_start3A_79 : memref<16x64xbf16, #tpu.memory_space<hbm>>) target(%dma_start3A_75 : memref<16x64xbf16, #tpu.memory_space<vmem_shared>>) target_semaphore(%run_scoped3A_72 : memref<!tpu.dma_semaphore, #tpu.memory_space<semaphore_mem>>)
        %dma_wait3A = arith.constant 9984 : i32
        %dma_wait3A_80 = arith.constant 0 : i32
        %dma_wait3A_81 = tpu.memref_slice %arg11[%dma_wait3A, %dma_wait3A_80] : memref<10000x64xbf16, #tpu.memory_space<vmem_shared>> -> memref<16x64xbf16, #tpu.memory_space<vmem_shared>>
        %dma_wait3A_82 = arith.constant 9984 : i32
        %dma_wait3A_83 = arith.constant 0 : i32
        %dma_wait3A_84 = tpu.memref_slice %arg2[%arg0, %dma_wait3A_82, %dma_wait3A_83] : memref<2x10000x64xbf16, #tpu.memory_space<hbm>> -> memref<1x16x64xbf16, #tpu.memory_space<hbm>>
        %dma_wait3A_85 = tpu.memref_squeeze %dma_wait3A_84 : memref<1x16x64xbf16, #tpu.memory_space<hbm>> -> memref<16x64xbf16, #tpu.memory_space<hbm>>
        tpu.wait_dma2 semaphore(%run_scoped3A_72 : memref<!tpu.dma_semaphore, #tpu.memory_space<semaphore_mem>>) src(%dma_wait3A_85 : memref<16x64xbf16, #tpu.memory_space<hbm>>) dst(%dma_wait3A_81 : memref<16x64xbf16, #tpu.memory_space<vmem_shared>>)
        tpu.yield
      }) : () -> ()
    } else {
    }
    %barrier3A = arith.constant 0 : index
    tpu.barrier barrier_id(%barrier3A)
    %run_scoped3A = arith.constant 0 : i32
    "tpu.region"() ({
      %run_scoped3A_72 = tpu.sem_alloc : memref<!tpu.dma_semaphore, #tpu.memory_space<semaphore_mem>>
      %dma_start3A_73 = arith.constant 0 : i32
      %dma_start3A_74 = arith.constant 0 : i32
      %dma_start3A_75 = arith.constant 0 : i32
      %dma_start3A_76 = tpu.memref_slice %arg3[%run_scoped3A, %arg1, %dma_start3A_73, %dma_start3A_74, %dma_start3A_75] : memref<2x16x20x1x1000xi32, #tpu.memory_space<hbm>> -> memref<1x1x10x1x1000xi32, #tpu.memory_space<hbm>>
      %dma_start3A_77 = tpu.memref_squeeze %dma_start3A_76 : memref<1x1x10x1x1000xi32, #tpu.memory_space<hbm>> -> memref<10x1x1000xi32, #tpu.memory_space<hbm>>
      %dma_start3A_78 = arith.constant 0 : i32
      %dma_start3A_79 = arith.constant 0 : i32
      %dma_start3A_80 = arith.constant 0 : i32
      %dma_start3A_81 = tpu.memref_slice %arg3[%run_scoped3A, %arg1, %dma_start3A_78, %dma_start3A_79, %dma_start3A_80] : memref<2x16x20x1x1000xi32, #tpu.memory_space<hbm>> -> memref<1x1x10x1x1000xi32, #tpu.memory_space<hbm>>
      %dma_start3A_82 = tpu.memref_squeeze %dma_start3A_81 : memref<1x1x10x1x1000xi32, #tpu.memory_space<hbm>> -> memref<10x1x1000xi32, #tpu.memory_space<hbm>>
      tpu.enqueue_dma source(%dma_start3A_82 : memref<10x1x1000xi32, #tpu.memory_space<hbm>>) target(%arg5 : memref<10x1x1000xi32, #tpu.memory_space<vmem>>) target_semaphore(%run_scoped3A_72 : memref<!tpu.dma_semaphore, #tpu.memory_space<semaphore_mem>>)
      %dma_wait3A = arith.constant 0 : i32
      %dma_wait3A_83 = arith.constant 0 : i32
      %dma_wait3A_84 = arith.constant 0 : i32
      %dma_wait3A_85 = tpu.memref_slice %arg3[%run_scoped3A, %arg1, %dma_wait3A, %dma_wait3A_83, %dma_wait3A_84] : memref<2x16x20x1x1000xi32, #tpu.memory_space<hbm>> -> memref<1x1x10x1x1000xi32, #tpu.memory_space<hbm>>
      %dma_wait3A_86 = tpu.memref_squeeze %dma_wait3A_85 : memref<1x1x10x1x1000xi32, #tpu.memory_space<hbm>> -> memref<10x1x1000xi32, #tpu.memory_space<hbm>>
      %dma_wait3A_87 = arith.constant 0 : i32
      %dma_wait3A_88 = arith.constant 0 : i32
      %dma_wait3A_89 = arith.constant 0 : i32
      %dma_wait3A_90 = tpu.memref_slice %arg3[%run_scoped3A, %arg1, %dma_wait3A_87, %dma_wait3A_88, %dma_wait3A_89] : memref<2x16x20x1x1000xi32, #tpu.memory_space<hbm>> -> memref<1x1x10x1x1000xi32, #tpu.memory_space<hbm>>
      %dma_wait3A_91 = tpu.memref_squeeze %dma_wait3A_90 : memref<1x1x10x1x1000xi32, #tpu.memory_space<hbm>> -> memref<10x1x1000xi32, #tpu.memory_space<hbm>>
      tpu.wait_dma2 semaphore(%run_scoped3A_72 : memref<!tpu.dma_semaphore, #tpu.memory_space<semaphore_mem>>) src(%dma_wait3A_91 : memref<10x1x1000xi32, #tpu.memory_space<hbm>>) dst(%arg5 : memref<10x1x1000xi32, #tpu.memory_space<vmem>>)
      tpu.yield
    }) : () -> ()
    %run_scoped3A_3 = arith.constant 1 : i32
    "tpu.region"() ({
      %run_scoped3A_72 = tpu.sem_alloc : memref<!tpu.dma_semaphore, #tpu.memory_space<semaphore_mem>>
      %dma_start3A_73 = arith.constant 0 : i32
      %dma_start3A_74 = arith.constant 0 : i32
      %dma_start3A_75 = arith.constant 0 : i32
      %dma_start3A_76 = tpu.memref_slice %arg3[%run_scoped3A_3, %arg1, %dma_start3A_73, %dma_start3A_74, %dma_start3A_75] : memref<2x16x20x1x1000xi32, #tpu.memory_space<hbm>> -> memref<1x1x10x1x1000xi32, #tpu.memory_space<hbm>>
      %dma_start3A_77 = tpu.memref_squeeze %dma_start3A_76 : memref<1x1x10x1x1000xi32, #tpu.memory_space<hbm>> -> memref<10x1x1000xi32, #tpu.memory_space<hbm>>
      %dma_start3A_78 = arith.constant 0 : i32
      %dma_start3A_79 = arith.constant 0 : i32
      %dma_start3A_80 = arith.constant 0 : i32
      %dma_start3A_81 = tpu.memref_slice %arg3[%run_scoped3A_3, %arg1, %dma_start3A_78, %dma_start3A_79, %dma_start3A_80] : memref<2x16x20x1x1000xi32, #tpu.memory_space<hbm>> -> memref<1x1x10x1x1000xi32, #tpu.memory_space<hbm>>
      %dma_start3A_82 = tpu.memref_squeeze %dma_start3A_81 : memref<1x1x10x1x1000xi32, #tpu.memory_space<hbm>> -> memref<10x1x1000xi32, #tpu.memory_space<hbm>>
      tpu.enqueue_dma source(%dma_start3A_82 : memref<10x1x1000xi32, #tpu.memory_space<hbm>>) target(%arg6 : memref<10x1x1000xi32, #tpu.memory_space<vmem>>) target_semaphore(%run_scoped3A_72 : memref<!tpu.dma_semaphore, #tpu.memory_space<semaphore_mem>>)
      %dma_wait3A = arith.constant 0 : i32
      %dma_wait3A_83 = arith.constant 0 : i32
      %dma_wait3A_84 = arith.constant 0 : i32
      %dma_wait3A_85 = tpu.memref_slice %arg3[%run_scoped3A_3, %arg1, %dma_wait3A, %dma_wait3A_83, %dma_wait3A_84] : memref<2x16x20x1x1000xi32, #tpu.memory_space<hbm>> -> memref<1x1x10x1x1000xi32, #tpu.memory_space<hbm>>
      %dma_wait3A_86 = tpu.memref_squeeze %dma_wait3A_85 : memref<1x1x10x1x1000xi32, #tpu.memory_space<hbm>> -> memref<10x1x1000xi32, #tpu.memory_space<hbm>>
      %dma_wait3A_87 = arith.constant 0 : i32
      %dma_wait3A_88 = arith.constant 0 : i32
      %dma_wait3A_89 = arith.constant 0 : i32
      %dma_wait3A_90 = tpu.memref_slice %arg3[%run_scoped3A_3, %arg1, %dma_wait3A_87, %dma_wait3A_88, %dma_wait3A_89] : memref<2x16x20x1x1000xi32, #tpu.memory_space<hbm>> -> memref<1x1x10x1x1000xi32, #tpu.memory_space<hbm>>
      %dma_wait3A_91 = tpu.memref_squeeze %dma_wait3A_90 : memref<1x1x10x1x1000xi32, #tpu.memory_space<hbm>> -> memref<10x1x1000xi32, #tpu.memory_space<hbm>>
      tpu.wait_dma2 semaphore(%run_scoped3A_72 : memref<!tpu.dma_semaphore, #tpu.memory_space<semaphore_mem>>) src(%dma_wait3A_91 : memref<10x1x1000xi32, #tpu.memory_space<hbm>>) dst(%arg6 : memref<10x1x1000xi32, #tpu.memory_space<vmem>>)
      tpu.yield
    }) : () -> ()
    %dma_start3A = arith.constant 0 : i32
    %dma_start3A_4 = arith.constant 0 : i32
    %dma_start3A_5 = arith.constant 0 : i32
    %dma_start3A_6 = tpu.memref_slice %arg5[%dma_start3A, %dma_start3A_4, %dma_start3A_5] : memref<10x1x1000xi32, #tpu.memory_space<vmem>> -> memref<1x1x1000xi32, #tpu.memory_space<vmem>>
    %dma_start3A_7 = tpu.memref_squeeze %dma_start3A_6 : memref<1x1x1000xi32, #tpu.memory_space<vmem>> -> memref<1000xi32, #tpu.memory_space<vmem>>
    %dma_start3A_8 = arith.constant 0 : i32
    %dma_start3A_9 = arith.constant 0 : i32
    %dma_start3A_10 = tpu.memref_slice %arg2[%arg0, %dma_start3A_8, %dma_start3A_9] : memref<2x10000x64xbf16, #tpu.memory_space<hbm>> -> memref<1x10000x64xbf16, #tpu.memory_space<hbm>>
    %dma_start3A_11 = tpu.memref_squeeze %dma_start3A_10 : memref<1x10000x64xbf16, #tpu.memory_space<hbm>> -> memref<10000x64xbf16, #tpu.memory_space<hbm>>
    %dma_start3A_12 = arith.constant 0 : i32
    %dma_start3A_13 = arith.constant 0 : i32
    %dma_start3A_14 = tpu.memref_slice %dma_start3A_11[%dma_start3A_12, %dma_start3A_13] : memref<10000x64xbf16, #tpu.memory_space<hbm>> -> memref<10000x64xbf16, #tpu.memory_space<hbm>>
    tpu.enqueue_indirect_dma source(%dma_start3A_14 : memref<10000x64xbf16, #tpu.memory_space<hbm>>) target(%arg7 : memref<1000x64xbf16, #tpu.memory_space<vmem>>) offsets(%dma_start3A_7 : memref<1000xi32, #tpu.memory_space<vmem>>) semaphore(%arg9 : memref<!tpu.dma_semaphore, #tpu.memory_space<semaphore_mem>>)
    %dma_start3A_15 = arith.constant 1 : i32
    %dma_start3A_16 = arith.constant 0 : i32
    %dma_start3A_17 = arith.constant 0 : i32
    %dma_start3A_18 = tpu.memref_slice %arg5[%dma_start3A_15, %dma_start3A_16, %dma_start3A_17] : memref<10x1x1000xi32, #tpu.memory_space<vmem>> -> memref<1x1x1000xi32, #tpu.memory_space<vmem>>
    %dma_start3A_19 = tpu.memref_squeeze %dma_start3A_18 : memref<1x1x1000xi32, #tpu.memory_space<vmem>> -> memref<1000xi32, #tpu.memory_space<vmem>>
    %dma_start3A_20 = arith.constant 0 : i32
    %dma_start3A_21 = arith.constant 0 : i32
    %dma_start3A_22 = tpu.memref_slice %arg2[%arg0, %dma_start3A_20, %dma_start3A_21] : memref<2x10000x64xbf16, #tpu.memory_space<hbm>> -> memref<1x10000x64xbf16, #tpu.memory_space<hbm>>
    %dma_start3A_23 = tpu.memref_squeeze %dma_start3A_22 : memref<1x10000x64xbf16, #tpu.memory_space<hbm>> -> memref<10000x64xbf16, #tpu.memory_space<hbm>>
    %dma_start3A_24 = arith.constant 0 : i32
    %dma_start3A_25 = arith.constant 0 : i32
    %dma_start3A_26 = tpu.memref_slice %dma_start3A_23[%dma_start3A_24, %dma_start3A_25] : memref<10000x64xbf16, #tpu.memory_space<hbm>> -> memref<10000x64xbf16, #tpu.memory_space<hbm>>
    tpu.enqueue_indirect_dma source(%dma_start3A_26 : memref<10000x64xbf16, #tpu.memory_space<hbm>>) target(%arg8 : memref<1000x64xbf16, #tpu.memory_space<vmem>>) offsets(%dma_start3A_19 : memref<1000xi32, #tpu.memory_space<vmem>>) semaphore(%arg10 : memref<!tpu.dma_semaphore, #tpu.memory_space<semaphore_mem>>)
    %scan3A = arith.constant 0 : i32
    %scan3A_27 = arith.constant 0 : i32
    %scan3A_28 = arith.constant 5 : i32
    %scan3A_29 = arith.addi %scan3A_27, %scan3A_28 : i32
    %scan3A_30 = arith.constant 1 : i32
    %scan3A_31 = scf.for %scan3A_72 = %scan3A_27 to %scan3A_29 step %scan3A_30 iter_args(%scan3A_73 = %scan3A) -> (i32)  : i32 {
      %mul3A_74 = arith.constant 2 : i32
      %mul3A_75 = arith.muli %scan3A_72, %mul3A_74 : i32
      %add3A = arith.constant 0 : i32
      %add3A_76 = arith.addi %mul3A_75, %add3A : i32
      %dma_wait3A = arith.constant 0 : i32
      %dma_wait3A_77 = arith.constant 0 : i32
      %dma_wait3A_78 = tpu.memref_slice %arg5[%add3A_76, %dma_wait3A, %dma_wait3A_77] : memref<10x1x1000xi32, #tpu.memory_space<vmem>> -> memref<1x1x1000xi32, #tpu.memory_space<vmem>>
      %dma_wait3A_79 = tpu.memref_squeeze %dma_wait3A_78 : memref<1x1x1000xi32, #tpu.memory_space<vmem>> -> memref<1000xi32, #tpu.memory_space<vmem>>
      %dma_wait3A_80 = arith.constant 0 : i32
      %dma_wait3A_81 = arith.constant 0 : i32
      %dma_wait3A_82 = tpu.memref_slice %arg2[%arg0, %dma_wait3A_80, %dma_wait3A_81] : memref<2x10000x64xbf16, #tpu.memory_space<hbm>> -> memref<1x10000x64xbf16, #tpu.memory_space<hbm>>
      %dma_wait3A_83 = tpu.memref_squeeze %dma_wait3A_82 : memref<1x10000x64xbf16, #tpu.memory_space<hbm>> -> memref<10000x64xbf16, #tpu.memory_space<hbm>>
      %dma_wait3A_84 = arith.constant 0 : i32
      %dma_wait3A_85 = arith.constant 0 : i32
      %dma_wait3A_86 = tpu.memref_slice %dma_wait3A_83[%dma_wait3A_84, %dma_wait3A_85] : memref<10000x64xbf16, #tpu.memory_space<hbm>> -> memref<10000x64xbf16, #tpu.memory_space<hbm>>
      tpu.wait_indirect_dma semaphore(%arg9 : memref<!tpu.dma_semaphore, #tpu.memory_space<semaphore_mem>>) src(%dma_wait3A_86 : memref<10000x64xbf16, #tpu.memory_space<hbm>>) dst(%arg7 : memref<1000x64xbf16, #tpu.memory_space<vmem>>)
      %run_scoped3A_87 = arith.constant 0 : i32
      "tpu.region"() ({
        %run_scoped3A_118 = tpu.sem_alloc : memref<!tpu.dma_semaphore, #tpu.memory_space<semaphore_mem>>
        %dma_start3A_119 = arith.constant 0 : i32
        %dma_start3A_120 = tpu.memref_slice %arg6[%add3A_76, %run_scoped3A_87, %dma_start3A_119] : memref<10x1x1000xi32, #tpu.memory_space<vmem>> -> memref<1x1x1000xi32, #tpu.memory_space<vmem>>
        %dma_start3A_121 = tpu.memref_squeeze %dma_start3A_120 : memref<1x1x1000xi32, #tpu.memory_space<vmem>> -> memref<1000xi32, #tpu.memory_space<vmem>>
        %dma_start3A_122 = arith.constant 0 : i32
        %dma_start3A_123 = arith.constant 0 : i32
        %dma_start3A_124 = tpu.memref_slice %arg11[%dma_start3A_122, %dma_start3A_123] : memref<10000x64xbf16, #tpu.memory_space<vmem_shared>> -> memref<10000x64xbf16, #tpu.memory_space<vmem_shared>>
        tpu.enqueue_indirect_dma source(%arg7 : memref<1000x64xbf16, #tpu.memory_space<vmem>>) target(%dma_start3A_124 : memref<10000x64xbf16, #tpu.memory_space<vmem_shared>>) offsets(%dma_start3A_121 : memref<1000xi32, #tpu.memory_space<vmem>>) semaphore(%run_scoped3A_118 : memref<!tpu.dma_semaphore, #tpu.memory_space<semaphore_mem>>) {add = true}
        %dma_wait3A_125 = arith.constant 0 : i32
        %dma_wait3A_126 = tpu.memref_slice %arg6[%add3A_76, %run_scoped3A_87, %dma_wait3A_125] : memref<10x1x1000xi32, #tpu.memory_space<vmem>> -> memref<1x1x1000xi32, #tpu.memory_space<vmem>>
        %dma_wait3A_127 = tpu.memref_squeeze %dma_wait3A_126 : memref<1x1x1000xi32, #tpu.memory_space<vmem>> -> memref<1000xi32, #tpu.memory_space<vmem>>
        %dma_wait3A_128 = arith.constant 0 : i32
        %dma_wait3A_129 = arith.constant 0 : i32
        %dma_wait3A_130 = tpu.memref_slice %arg11[%dma_wait3A_128, %dma_wait3A_129] : memref<10000x64xbf16, #tpu.memory_space<vmem_shared>> -> memref<10000x64xbf16, #tpu.memory_space<vmem_shared>>
        tpu.wait_indirect_dma semaphore(%run_scoped3A_118 : memref<!tpu.dma_semaphore, #tpu.memory_space<semaphore_mem>>) src(%arg7 : memref<1000x64xbf16, #tpu.memory_space<vmem>>) dst(%dma_wait3A_130 : memref<10000x64xbf16, #tpu.memory_space<vmem_shared>>)
        tpu.yield
      }) : () -> ()
      %add3A_88 = arith.constant 2 : i32
      %add3A_89 = arith.addi %add3A_76, %add3A_88 : i32
      %lt3A = arith.constant 10 : i32
      %lt3A_90 = arith.cmpi slt, %add3A_89, %lt3A : i32
      %convert_element_type3A_91 = arith.extui %lt3A_90 : i1 to i32
      %cond3A_92 = arith.constant 0 : i32
      %cond3A_93 = arith.cmpi ne, %convert_element_type3A_91, %cond3A_92 : i32
      scf.if %cond3A_93 {
        %add3A_118 = arith.constant 2 : i32
        %add3A_119 = arith.addi %add3A_76, %add3A_118 : i32
        %dma_start3A_120 = arith.constant 0 : i32
        %dma_start3A_121 = arith.constant 0 : i32
        %dma_start3A_122 = tpu.memref_slice %arg5[%add3A_119, %dma_start3A_120, %dma_start3A_121] : memref<10x1x1000xi32, #tpu.memory_space<vmem>> -> memref<1x1x1000xi32, #tpu.memory_space<vmem>>
        %dma_start3A_123 = tpu.memref_squeeze %dma_start3A_122 : memref<1x1x1000xi32, #tpu.memory_space<vmem>> -> memref<1000xi32, #tpu.memory_space<vmem>>
        %dma_start3A_124 = arith.constant 0 : i32
        %dma_start3A_125 = arith.constant 0 : i32
        %dma_start3A_126 = tpu.memref_slice %arg2[%arg0, %dma_start3A_124, %dma_start3A_125] : memref<2x10000x64xbf16, #tpu.memory_space<hbm>> -> memref<1x10000x64xbf16, #tpu.memory_space<hbm>>
        %dma_start3A_127 = tpu.memref_squeeze %dma_start3A_126 : memref<1x10000x64xbf16, #tpu.memory_space<hbm>> -> memref<10000x64xbf16, #tpu.memory_space<hbm>>
        %dma_start3A_128 = arith.constant 0 : i32
        %dma_start3A_129 = arith.constant 0 : i32
        %dma_start3A_130 = tpu.memref_slice %dma_start3A_127[%dma_start3A_128, %dma_start3A_129] : memref<10000x64xbf16, #tpu.memory_space<hbm>> -> memref<10000x64xbf16, #tpu.memory_space<hbm>>
        tpu.enqueue_indirect_dma source(%dma_start3A_130 : memref<10000x64xbf16, #tpu.memory_space<hbm>>) target(%arg7 : memref<1000x64xbf16, #tpu.memory_space<vmem>>) offsets(%dma_start3A_123 : memref<1000xi32, #tpu.memory_space<vmem>>) semaphore(%arg9 : memref<!tpu.dma_semaphore, #tpu.memory_space<semaphore_mem>>)
      } else {
      }
      %mul3A_94 = arith.constant 2 : i32
      %mul3A_95 = arith.muli %scan3A_72, %mul3A_94 : i32
      %add3A_96 = arith.constant 1 : i32
      %add3A_97 = arith.addi %mul3A_95, %add3A_96 : i32
      %dma_wait3A_98 = arith.constant 0 : i32
      %dma_wait3A_99 = arith.constant 0 : i32
      %dma_wait3A_100 = tpu.memref_slice %arg5[%add3A_97, %dma_wait3A_98, %dma_wait3A_99] : memref<10x1x1000xi32, #tpu.memory_space<vmem>> -> memref<1x1x1000xi32, #tpu.memory_space<vmem>>
      %dma_wait3A_101 = tpu.memref_squeeze %dma_wait3A_100 : memref<1x1x1000xi32, #tpu.memory_space<vmem>> -> memref<1000xi32, #tpu.memory_space<vmem>>
      %dma_wait3A_102 = arith.constant 0 : i32
      %dma_wait3A_103 = arith.constant 0 : i32
      %dma_wait3A_104 = tpu.memref_slice %arg2[%arg0, %dma_wait3A_102, %dma_wait3A_103] : memref<2x10000x64xbf16, #tpu.memory_space<hbm>> -> memref<1x10000x64xbf16, #tpu.memory_space<hbm>>
      %dma_wait3A_105 = tpu.memref_squeeze %dma_wait3A_104 : memref<1x10000x64xbf16, #tpu.memory_space<hbm>> -> memref<10000x64xbf16, #tpu.memory_space<hbm>>
      %dma_wait3A_106 = arith.constant 0 : i32
      %dma_wait3A_107 = arith.constant 0 : i32
      %dma_wait3A_108 = tpu.memref_slice %dma_wait3A_105[%dma_wait3A_106, %dma_wait3A_107] : memref<10000x64xbf16, #tpu.memory_space<hbm>> -> memref<10000x64xbf16, #tpu.memory_space<hbm>>
      tpu.wait_indirect_dma semaphore(%arg10 : memref<!tpu.dma_semaphore, #tpu.memory_space<semaphore_mem>>) src(%dma_wait3A_108 : memref<10000x64xbf16, #tpu.memory_space<hbm>>) dst(%arg8 : memref<1000x64xbf16, #tpu.memory_space<vmem>>)
      %run_scoped3A_109 = arith.constant 0 : i32
      "tpu.region"() ({
        %run_scoped3A_118 = tpu.sem_alloc : memref<!tpu.dma_semaphore, #tpu.memory_space<semaphore_mem>>
        %dma_start3A_119 = arith.constant 0 : i32
        %dma_start3A_120 = tpu.memref_slice %arg6[%add3A_97, %run_scoped3A_109, %dma_start3A_119] : memref<10x1x1000xi32, #tpu.memory_space<vmem>> -> memref<1x1x1000xi32, #tpu.memory_space<vmem>>
        %dma_start3A_121 = tpu.memref_squeeze %dma_start3A_120 : memref<1x1x1000xi32, #tpu.memory_space<vmem>> -> memref<1000xi32, #tpu.memory_space<vmem>>
        %dma_start3A_122 = arith.constant 0 : i32
        %dma_start3A_123 = arith.constant 0 : i32
        %dma_start3A_124 = tpu.memref_slice %arg11[%dma_start3A_122, %dma_start3A_123] : memref<10000x64xbf16, #tpu.memory_space<vmem_shared>> -> memref<10000x64xbf16, #tpu.memory_space<vmem_shared>>
        tpu.enqueue_indirect_dma source(%arg8 : memref<1000x64xbf16, #tpu.memory_space<vmem>>) target(%dma_start3A_124 : memref<10000x64xbf16, #tpu.memory_space<vmem_shared>>) offsets(%dma_start3A_121 : memref<1000xi32, #tpu.memory_space<vmem>>) semaphore(%run_scoped3A_118 : memref<!tpu.dma_semaphore, #tpu.memory_space<semaphore_mem>>) {add = true}
        %dma_wait3A_125 = arith.constant 0 : i32
        %dma_wait3A_126 = tpu.memref_slice %arg6[%add3A_97, %run_scoped3A_109, %dma_wait3A_125] : memref<10x1x1000xi32, #tpu.memory_space<vmem>> -> memref<1x1x1000xi32, #tpu.memory_space<vmem>>
        %dma_wait3A_127 = tpu.memref_squeeze %dma_wait3A_126 : memref<1x1x1000xi32, #tpu.memory_space<vmem>> -> memref<1000xi32, #tpu.memory_space<vmem>>
        %dma_wait3A_128 = arith.constant 0 : i32
        %dma_wait3A_129 = arith.constant 0 : i32
        %dma_wait3A_130 = tpu.memref_slice %arg11[%dma_wait3A_128, %dma_wait3A_129] : memref<10000x64xbf16, #tpu.memory_space<vmem_shared>> -> memref<10000x64xbf16, #tpu.memory_space<vmem_shared>>
        tpu.wait_indirect_dma semaphore(%run_scoped3A_118 : memref<!tpu.dma_semaphore, #tpu.memory_space<semaphore_mem>>) src(%arg8 : memref<1000x64xbf16, #tpu.memory_space<vmem>>) dst(%dma_wait3A_130 : memref<10000x64xbf16, #tpu.memory_space<vmem_shared>>)
        tpu.yield
      }) : () -> ()
      %add3A_110 = arith.constant 2 : i32
      %add3A_111 = arith.addi %add3A_97, %add3A_110 : i32
      %lt3A_112 = arith.constant 10 : i32
      %lt3A_113 = arith.cmpi slt, %add3A_111, %lt3A_112 : i32
      %convert_element_type3A_114 = arith.extui %lt3A_113 : i1 to i32
      %cond3A_115 = arith.constant 0 : i32
      %cond3A_116 = arith.cmpi ne, %convert_element_type3A_114, %cond3A_115 : i32
      scf.if %cond3A_116 {
        %add3A_118 = arith.constant 2 : i32
        %add3A_119 = arith.addi %add3A_97, %add3A_118 : i32
        %dma_start3A_120 = arith.constant 0 : i32
        %dma_start3A_121 = arith.constant 0 : i32
        %dma_start3A_122 = tpu.memref_slice %arg5[%add3A_119, %dma_start3A_120, %dma_start3A_121] : memref<10x1x1000xi32, #tpu.memory_space<vmem>> -> memref<1x1x1000xi32, #tpu.memory_space<vmem>>
        %dma_start3A_123 = tpu.memref_squeeze %dma_start3A_122 : memref<1x1x1000xi32, #tpu.memory_space<vmem>> -> memref<1000xi32, #tpu.memory_space<vmem>>
        %dma_start3A_124 = arith.constant 0 : i32
        %dma_start3A_125 = arith.constant 0 : i32
        %dma_start3A_126 = tpu.memref_slice %arg2[%arg0, %dma_start3A_124, %dma_start3A_125] : memref<2x10000x64xbf16, #tpu.memory_space<hbm>> -> memref<1x10000x64xbf16, #tpu.memory_space<hbm>>
        %dma_start3A_127 = tpu.memref_squeeze %dma_start3A_126 : memref<1x10000x64xbf16, #tpu.memory_space<hbm>> -> memref<10000x64xbf16, #tpu.memory_space<hbm>>
        %dma_start3A_128 = arith.constant 0 : i32
        %dma_start3A_129 = arith.constant 0 : i32
        %dma_start3A_130 = tpu.memref_slice %dma_start3A_127[%dma_start3A_128, %dma_start3A_129] : memref<10000x64xbf16, #tpu.memory_space<hbm>> -> memref<10000x64xbf16, #tpu.memory_space<hbm>>
        tpu.enqueue_indirect_dma source(%dma_start3A_130 : memref<10000x64xbf16, #tpu.memory_space<hbm>>) target(%arg8 : memref<1000x64xbf16, #tpu.memory_space<vmem>>) offsets(%dma_start3A_123 : memref<1000xi32, #tpu.memory_space<vmem>>) semaphore(%arg10 : memref<!tpu.dma_semaphore, #tpu.memory_space<semaphore_mem>>)
      } else {
      }
      %scan3A_117 = arith.constant 0 : i32
      scf.yield %scan3A_117 : i32
    }
    %scan3A_32 = arith.constant 5 : i32
    %run_scoped3A_33 = arith.constant 0 : i32
    "tpu.region"() ({
      %run_scoped3A_72 = tpu.sem_alloc : memref<!tpu.dma_semaphore, #tpu.memory_space<semaphore_mem>>
      %dma_start3A_73 = arith.constant 10 : i32
      %dma_start3A_74 = arith.constant 0 : i32
      %dma_start3A_75 = arith.constant 0 : i32
      %dma_start3A_76 = tpu.memref_slice %arg3[%run_scoped3A_33, %arg1, %dma_start3A_73, %dma_start3A_74, %dma_start3A_75] : memref<2x16x20x1x1000xi32, #tpu.memory_space<hbm>> -> memref<1x1x10x1x1000xi32, #tpu.memory_space<hbm>>
      %dma_start3A_77 = tpu.memref_squeeze %dma_start3A_76 : memref<1x1x10x1x1000xi32, #tpu.memory_space<hbm>> -> memref<10x1x1000xi32, #tpu.memory_space<hbm>>
      %dma_start3A_78 = arith.constant 10 : i32
      %dma_start3A_79 = arith.constant 0 : i32
      %dma_start3A_80 = arith.constant 0 : i32
      %dma_start3A_81 = tpu.memref_slice %arg3[%run_scoped3A_33, %arg1, %dma_start3A_78, %dma_start3A_79, %dma_start3A_80] : memref<2x16x20x1x1000xi32, #tpu.memory_space<hbm>> -> memref<1x1x10x1x1000xi32, #tpu.memory_space<hbm>>
      %dma_start3A_82 = tpu.memref_squeeze %dma_start3A_81 : memref<1x1x10x1x1000xi32, #tpu.memory_space<hbm>> -> memref<10x1x1000xi32, #tpu.memory_space<hbm>>
      tpu.enqueue_dma source(%dma_start3A_82 : memref<10x1x1000xi32, #tpu.memory_space<hbm>>) target(%arg5 : memref<10x1x1000xi32, #tpu.memory_space<vmem>>) target_semaphore(%run_scoped3A_72 : memref<!tpu.dma_semaphore, #tpu.memory_space<semaphore_mem>>)
      %dma_wait3A = arith.constant 10 : i32
      %dma_wait3A_83 = arith.constant 0 : i32
      %dma_wait3A_84 = arith.constant 0 : i32
      %dma_wait3A_85 = tpu.memref_slice %arg3[%run_scoped3A_33, %arg1, %dma_wait3A, %dma_wait3A_83, %dma_wait3A_84] : memref<2x16x20x1x1000xi32, #tpu.memory_space<hbm>> -> memref<1x1x10x1x1000xi32, #tpu.memory_space<hbm>>
      %dma_wait3A_86 = tpu.memref_squeeze %dma_wait3A_85 : memref<1x1x10x1x1000xi32, #tpu.memory_space<hbm>> -> memref<10x1x1000xi32, #tpu.memory_space<hbm>>
      %dma_wait3A_87 = arith.constant 10 : i32
      %dma_wait3A_88 = arith.constant 0 : i32
      %dma_wait3A_89 = arith.constant 0 : i32
      %dma_wait3A_90 = tpu.memref_slice %arg3[%run_scoped3A_33, %arg1, %dma_wait3A_87, %dma_wait3A_88, %dma_wait3A_89] : memref<2x16x20x1x1000xi32, #tpu.memory_space<hbm>> -> memref<1x1x10x1x1000xi32, #tpu.memory_space<hbm>>
      %dma_wait3A_91 = tpu.memref_squeeze %dma_wait3A_90 : memref<1x1x10x1x1000xi32, #tpu.memory_space<hbm>> -> memref<10x1x1000xi32, #tpu.memory_space<hbm>>
      tpu.wait_dma2 semaphore(%run_scoped3A_72 : memref<!tpu.dma_semaphore, #tpu.memory_space<semaphore_mem>>) src(%dma_wait3A_91 : memref<10x1x1000xi32, #tpu.memory_space<hbm>>) dst(%arg5 : memref<10x1x1000xi32, #tpu.memory_space<vmem>>)
      tpu.yield
    }) : () -> ()
    %run_scoped3A_34 = arith.constant 1 : i32
    "tpu.region"() ({
      %run_scoped3A_72 = tpu.sem_alloc : memref<!tpu.dma_semaphore, #tpu.memory_space<semaphore_mem>>
      %dma_start3A_73 = arith.constant 10 : i32
      %dma_start3A_74 = arith.constant 0 : i32
      %dma_start3A_75 = arith.constant 0 : i32
      %dma_start3A_76 = tpu.memref_slice %arg3[%run_scoped3A_34, %arg1, %dma_start3A_73, %dma_start3A_74, %dma_start3A_75] : memref<2x16x20x1x1000xi32, #tpu.memory_space<hbm>> -> memref<1x1x10x1x1000xi32, #tpu.memory_space<hbm>>
      %dma_start3A_77 = tpu.memref_squeeze %dma_start3A_76 : memref<1x1x10x1x1000xi32, #tpu.memory_space<hbm>> -> memref<10x1x1000xi32, #tpu.memory_space<hbm>>
      %dma_start3A_78 = arith.constant 10 : i32
      %dma_start3A_79 = arith.constant 0 : i32
      %dma_start3A_80 = arith.constant 0 : i32
      %dma_start3A_81 = tpu.memref_slice %arg3[%run_scoped3A_34, %arg1, %dma_start3A_78, %dma_start3A_79, %dma_start3A_80] : memref<2x16x20x1x1000xi32, #tpu.memory_space<hbm>> -> memref<1x1x10x1x1000xi32, #tpu.memory_space<hbm>>
      %dma_start3A_82 = tpu.memref_squeeze %dma_start3A_81 : memref<1x1x10x1x1000xi32, #tpu.memory_space<hbm>> -> memref<10x1x1000xi32, #tpu.memory_space<hbm>>
      tpu.enqueue_dma source(%dma_start3A_82 : memref<10x1x1000xi32, #tpu.memory_space<hbm>>) target(%arg6 : memref<10x1x1000xi32, #tpu.memory_space<vmem>>) target_semaphore(%run_scoped3A_72 : memref<!tpu.dma_semaphore, #tpu.memory_space<semaphore_mem>>)
      %dma_wait3A = arith.constant 10 : i32
      %dma_wait3A_83 = arith.constant 0 : i32
      %dma_wait3A_84 = arith.constant 0 : i32
      %dma_wait3A_85 = tpu.memref_slice %arg3[%run_scoped3A_34, %arg1, %dma_wait3A, %dma_wait3A_83, %dma_wait3A_84] : memref<2x16x20x1x1000xi32, #tpu.memory_space<hbm>> -> memref<1x1x10x1x1000xi32, #tpu.memory_space<hbm>>
      %dma_wait3A_86 = tpu.memref_squeeze %dma_wait3A_85 : memref<1x1x10x1x1000xi32, #tpu.memory_space<hbm>> -> memref<10x1x1000xi32, #tpu.memory_space<hbm>>
      %dma_wait3A_87 = arith.constant 10 : i32
      %dma_wait3A_88 = arith.constant 0 : i32
      %dma_wait3A_89 = arith.constant 0 : i32
      %dma_wait3A_90 = tpu.memref_slice %arg3[%run_scoped3A_34, %arg1, %dma_wait3A_87, %dma_wait3A_88, %dma_wait3A_89] : memref<2x16x20x1x1000xi32, #tpu.memory_space<hbm>> -> memref<1x1x10x1x1000xi32, #tpu.memory_space<hbm>>
      %dma_wait3A_91 = tpu.memref_squeeze %dma_wait3A_90 : memref<1x1x10x1x1000xi32, #tpu.memory_space<hbm>> -> memref<10x1x1000xi32, #tpu.memory_space<hbm>>
      tpu.wait_dma2 semaphore(%run_scoped3A_72 : memref<!tpu.dma_semaphore, #tpu.memory_space<semaphore_mem>>) src(%dma_wait3A_91 : memref<10x1x1000xi32, #tpu.memory_space<hbm>>) dst(%arg6 : memref<10x1x1000xi32, #tpu.memory_space<vmem>>)
      tpu.yield
    }) : () -> ()
    %dma_start3A_35 = arith.constant 0 : i32
    %dma_start3A_36 = arith.constant 0 : i32
    %dma_start3A_37 = arith.constant 0 : i32
    %dma_start3A_38 = tpu.memref_slice %arg5[%dma_start3A_35, %dma_start3A_36, %dma_start3A_37] : memref<10x1x1000xi32, #tpu.memory_space<vmem>> -> memref<1x1x1000xi32, #tpu.memory_space<vmem>>
    %dma_start3A_39 = tpu.memref_squeeze %dma_start3A_38 : memref<1x1x1000xi32, #tpu.memory_space<vmem>> -> memref<1000xi32, #tpu.memory_space<vmem>>
    %dma_start3A_40 = arith.constant 0 : i32
    %dma_start3A_41 = arith.constant 0 : i32
    %dma_start3A_42 = tpu.memref_slice %arg2[%arg0, %dma_start3A_40, %dma_start3A_41] : memref<2x10000x64xbf16, #tpu.memory_space<hbm>> -> memref<1x10000x64xbf16, #tpu.memory_space<hbm>>
    %dma_start3A_43 = tpu.memref_squeeze %dma_start3A_42 : memref<1x10000x64xbf16, #tpu.memory_space<hbm>> -> memref<10000x64xbf16, #tpu.memory_space<hbm>>
    %dma_start3A_44 = arith.constant 0 : i32
    %dma_start3A_45 = arith.constant 0 : i32
    %dma_start3A_46 = tpu.memref_slice %dma_start3A_43[%dma_start3A_44, %dma_start3A_45] : memref<10000x64xbf16, #tpu.memory_space<hbm>> -> memref<10000x64xbf16, #tpu.memory_space<hbm>>
    tpu.enqueue_indirect_dma source(%dma_start3A_46 : memref<10000x64xbf16, #tpu.memory_space<hbm>>) target(%arg7 : memref<1000x64xbf16, #tpu.memory_space<vmem>>) offsets(%dma_start3A_39 : memref<1000xi32, #tpu.memory_space<vmem>>) semaphore(%arg9 : memref<!tpu.dma_semaphore, #tpu.memory_space<semaphore_mem>>)
    %dma_start3A_47 = arith.constant 1 : i32
    %dma_start3A_48 = arith.constant 0 : i32
    %dma_start3A_49 = arith.constant 0 : i32
    %dma_start3A_50 = tpu.memref_slice %arg5[%dma_start3A_47, %dma_start3A_48, %dma_start3A_49] : memref<10x1x1000xi32, #tpu.memory_space<vmem>> -> memref<1x1x1000xi32, #tpu.memory_space<vmem>>
    %dma_start3A_51 = tpu.memref_squeeze %dma_start3A_50 : memref<1x1x1000xi32, #tpu.memory_space<vmem>> -> memref<1000xi32, #tpu.memory_space<vmem>>
    %dma_start3A_52 = arith.constant 0 : i32
    %dma_start3A_53 = arith.constant 0 : i32
    %dma_start3A_54 = tpu.memref_slice %arg2[%arg0, %dma_start3A_52, %dma_start3A_53] : memref<2x10000x64xbf16, #tpu.memory_space<hbm>> -> memref<1x10000x64xbf16, #tpu.memory_space<hbm>>
    %dma_start3A_55 = tpu.memref_squeeze %dma_start3A_54 : memref<1x10000x64xbf16, #tpu.memory_space<hbm>> -> memref<10000x64xbf16, #tpu.memory_space<hbm>>
    %dma_start3A_56 = arith.constant 0 : i32
    %dma_start3A_57 = arith.constant 0 : i32
    %dma_start3A_58 = tpu.memref_slice %dma_start3A_55[%dma_start3A_56, %dma_start3A_57] : memref<10000x64xbf16, #tpu.memory_space<hbm>> -> memref<10000x64xbf16, #tpu.memory_space<hbm>>
    tpu.enqueue_indirect_dma source(%dma_start3A_58 : memref<10000x64xbf16, #tpu.memory_space<hbm>>) target(%arg8 : memref<1000x64xbf16, #tpu.memory_space<vmem>>) offsets(%dma_start3A_51 : memref<1000xi32, #tpu.memory_space<vmem>>) semaphore(%arg10 : memref<!tpu.dma_semaphore, #tpu.memory_space<semaphore_mem>>)
    %scan3A_59 = arith.constant 0 : i32
    %scan3A_60 = arith.constant 0 : i32
    %scan3A_61 = arith.constant 5 : i32
    %scan3A_62 = arith.addi %scan3A_60, %scan3A_61 : i32
    %scan3A_63 = arith.constant 1 : i32
    %scan3A_64 = scf.for %scan3A_72 = %scan3A_60 to %scan3A_62 step %scan3A_63 iter_args(%scan3A_73 = %scan3A_59) -> (i32)  : i32 {
      %mul3A_74 = arith.constant 2 : i32
      %mul3A_75 = arith.muli %scan3A_72, %mul3A_74 : i32
      %add3A = arith.constant 0 : i32
      %add3A_76 = arith.addi %mul3A_75, %add3A : i32
      %dma_wait3A = arith.constant 0 : i32
      %dma_wait3A_77 = arith.constant 0 : i32
      %dma_wait3A_78 = tpu.memref_slice %arg5[%add3A_76, %dma_wait3A, %dma_wait3A_77] : memref<10x1x1000xi32, #tpu.memory_space<vmem>> -> memref<1x1x1000xi32, #tpu.memory_space<vmem>>
      %dma_wait3A_79 = tpu.memref_squeeze %dma_wait3A_78 : memref<1x1x1000xi32, #tpu.memory_space<vmem>> -> memref<1000xi32, #tpu.memory_space<vmem>>
      %dma_wait3A_80 = arith.constant 0 : i32
      %dma_wait3A_81 = arith.constant 0 : i32
      %dma_wait3A_82 = tpu.memref_slice %arg2[%arg0, %dma_wait3A_80, %dma_wait3A_81] : memref<2x10000x64xbf16, #tpu.memory_space<hbm>> -> memref<1x10000x64xbf16, #tpu.memory_space<hbm>>
      %dma_wait3A_83 = tpu.memref_squeeze %dma_wait3A_82 : memref<1x10000x64xbf16, #tpu.memory_space<hbm>> -> memref<10000x64xbf16, #tpu.memory_space<hbm>>
      %dma_wait3A_84 = arith.constant 0 : i32
      %dma_wait3A_85 = arith.constant 0 : i32
      %dma_wait3A_86 = tpu.memref_slice %dma_wait3A_83[%dma_wait3A_84, %dma_wait3A_85] : memref<10000x64xbf16, #tpu.memory_space<hbm>> -> memref<10000x64xbf16, #tpu.memory_space<hbm>>
      tpu.wait_indirect_dma semaphore(%arg9 : memref<!tpu.dma_semaphore, #tpu.memory_space<semaphore_mem>>) src(%dma_wait3A_86 : memref<10000x64xbf16, #tpu.memory_space<hbm>>) dst(%arg7 : memref<1000x64xbf16, #tpu.memory_space<vmem>>)
      %run_scoped3A_87 = arith.constant 0 : i32
      "tpu.region"() ({
        %run_scoped3A_118 = tpu.sem_alloc : memref<!tpu.dma_semaphore, #tpu.memory_space<semaphore_mem>>
        %dma_start3A_119 = arith.constant 0 : i32
        %dma_start3A_120 = tpu.memref_slice %arg6[%add3A_76, %run_scoped3A_87, %dma_start3A_119] : memref<10x1x1000xi32, #tpu.memory_space<vmem>> -> memref<1x1x1000xi32, #tpu.memory_space<vmem>>
        %dma_start3A_121 = tpu.memref_squeeze %dma_start3A_120 : memref<1x1x1000xi32, #tpu.memory_space<vmem>> -> memref<1000xi32, #tpu.memory_space<vmem>>
        %dma_start3A_122 = arith.constant 0 : i32
        %dma_start3A_123 = arith.constant 0 : i32
        %dma_start3A_124 = tpu.memref_slice %arg11[%dma_start3A_122, %dma_start3A_123] : memref<10000x64xbf16, #tpu.memory_space<vmem_shared>> -> memref<10000x64xbf16, #tpu.memory_space<vmem_shared>>
        tpu.enqueue_indirect_dma source(%arg7 : memref<1000x64xbf16, #tpu.memory_space<vmem>>) target(%dma_start3A_124 : memref<10000x64xbf16, #tpu.memory_space<vmem_shared>>) offsets(%dma_start3A_121 : memref<1000xi32, #tpu.memory_space<vmem>>) semaphore(%run_scoped3A_118 : memref<!tpu.dma_semaphore, #tpu.memory_space<semaphore_mem>>) {add = true}
        %dma_wait3A_125 = arith.constant 0 : i32
        %dma_wait3A_126 = tpu.memref_slice %arg6[%add3A_76, %run_scoped3A_87, %dma_wait3A_125] : memref<10x1x1000xi32, #tpu.memory_space<vmem>> -> memref<1x1x1000xi32, #tpu.memory_space<vmem>>
        %dma_wait3A_127 = tpu.memref_squeeze %dma_wait3A_126 : memref<1x1x1000xi32, #tpu.memory_space<vmem>> -> memref<1000xi32, #tpu.memory_space<vmem>>
        %dma_wait3A_128 = arith.constant 0 : i32
        %dma_wait3A_129 = arith.constant 0 : i32
        %dma_wait3A_130 = tpu.memref_slice %arg11[%dma_wait3A_128, %dma_wait3A_129] : memref<10000x64xbf16, #tpu.memory_space<vmem_shared>> -> memref<10000x64xbf16, #tpu.memory_space<vmem_shared>>
        tpu.wait_indirect_dma semaphore(%run_scoped3A_118 : memref<!tpu.dma_semaphore, #tpu.memory_space<semaphore_mem>>) src(%arg7 : memref<1000x64xbf16, #tpu.memory_space<vmem>>) dst(%dma_wait3A_130 : memref<10000x64xbf16, #tpu.memory_space<vmem_shared>>)
        tpu.yield
      }) : () -> ()
      %add3A_88 = arith.constant 2 : i32
      %add3A_89 = arith.addi %add3A_76, %add3A_88 : i32
      %lt3A = arith.constant 10 : i32
      %lt3A_90 = arith.cmpi slt, %add3A_89, %lt3A : i32
      %convert_element_type3A_91 = arith.extui %lt3A_90 : i1 to i32
      %cond3A_92 = arith.constant 0 : i32
      %cond3A_93 = arith.cmpi ne, %convert_element_type3A_91, %cond3A_92 : i32
      scf.if %cond3A_93 {
        %add3A_118 = arith.constant 2 : i32
        %add3A_119 = arith.addi %add3A_76, %add3A_118 : i32
        %dma_start3A_120 = arith.constant 0 : i32
        %dma_start3A_121 = arith.constant 0 : i32
        %dma_start3A_122 = tpu.memref_slice %arg5[%add3A_119, %dma_start3A_120, %dma_start3A_121] : memref<10x1x1000xi32, #tpu.memory_space<vmem>> -> memref<1x1x1000xi32, #tpu.memory_space<vmem>>
        %dma_start3A_123 = tpu.memref_squeeze %dma_start3A_122 : memref<1x1x1000xi32, #tpu.memory_space<vmem>> -> memref<1000xi32, #tpu.memory_space<vmem>>
        %dma_start3A_124 = arith.constant 0 : i32
        %dma_start3A_125 = arith.constant 0 : i32
        %dma_start3A_126 = tpu.memref_slice %arg2[%arg0, %dma_start3A_124, %dma_start3A_125] : memref<2x10000x64xbf16, #tpu.memory_space<hbm>> -> memref<1x10000x64xbf16, #tpu.memory_space<hbm>>
        %dma_start3A_127 = tpu.memref_squeeze %dma_start3A_126 : memref<1x10000x64xbf16, #tpu.memory_space<hbm>> -> memref<10000x64xbf16, #tpu.memory_space<hbm>>
        %dma_start3A_128 = arith.constant 0 : i32
        %dma_start3A_129 = arith.constant 0 : i32
        %dma_start3A_130 = tpu.memref_slice %dma_start3A_127[%dma_start3A_128, %dma_start3A_129] : memref<10000x64xbf16, #tpu.memory_space<hbm>> -> memref<10000x64xbf16, #tpu.memory_space<hbm>>
        tpu.enqueue_indirect_dma source(%dma_start3A_130 : memref<10000x64xbf16, #tpu.memory_space<hbm>>) target(%arg7 : memref<1000x64xbf16, #tpu.memory_space<vmem>>) offsets(%dma_start3A_123 : memref<1000xi32, #tpu.memory_space<vmem>>) semaphore(%arg9 : memref<!tpu.dma_semaphore, #tpu.memory_space<semaphore_mem>>)
      } else {
      }
      %mul3A_94 = arith.constant 2 : i32
      %mul3A_95 = arith.muli %scan3A_72, %mul3A_94 : i32
      %add3A_96 = arith.constant 1 : i32
      %add3A_97 = arith.addi %mul3A_95, %add3A_96 : i32
      %dma_wait3A_98 = arith.constant 0 : i32
      %dma_wait3A_99 = arith.constant 0 : i32
      %dma_wait3A_100 = tpu.memref_slice %arg5[%add3A_97, %dma_wait3A_98, %dma_wait3A_99] : memref<10x1x1000xi32, #tpu.memory_space<vmem>> -> memref<1x1x1000xi32, #tpu.memory_space<vmem>>
      %dma_wait3A_101 = tpu.memref_squeeze %dma_wait3A_100 : memref<1x1x1000xi32, #tpu.memory_space<vmem>> -> memref<1000xi32, #tpu.memory_space<vmem>>
      %dma_wait3A_102 = arith.constant 0 : i32
      %dma_wait3A_103 = arith.constant 0 : i32
      %dma_wait3A_104 = tpu.memref_slice %arg2[%arg0, %dma_wait3A_102, %dma_wait3A_103] : memref<2x10000x64xbf16, #tpu.memory_space<hbm>> -> memref<1x10000x64xbf16, #tpu.memory_space<hbm>>
      %dma_wait3A_105 = tpu.memref_squeeze %dma_wait3A_104 : memref<1x10000x64xbf16, #tpu.memory_space<hbm>> -> memref<10000x64xbf16, #tpu.memory_space<hbm>>
      %dma_wait3A_106 = arith.constant 0 : i32
      %dma_wait3A_107 = arith.constant 0 : i32
      %dma_wait3A_108 = tpu.memref_slice %dma_wait3A_105[%dma_wait3A_106, %dma_wait3A_107] : memref<10000x64xbf16, #tpu.memory_space<hbm>> -> memref<10000x64xbf16, #tpu.memory_space<hbm>>
      tpu.wait_indirect_dma semaphore(%arg10 : memref<!tpu.dma_semaphore, #tpu.memory_space<semaphore_mem>>) src(%dma_wait3A_108 : memref<10000x64xbf16, #tpu.memory_space<hbm>>) dst(%arg8 : memref<1000x64xbf16, #tpu.memory_space<vmem>>)
      %run_scoped3A_109 = arith.constant 0 : i32
      "tpu.region"() ({
        %run_scoped3A_118 = tpu.sem_alloc : memref<!tpu.dma_semaphore, #tpu.memory_space<semaphore_mem>>
        %dma_start3A_119 = arith.constant 0 : i32
        %dma_start3A_120 = tpu.memref_slice %arg6[%add3A_97, %run_scoped3A_109, %dma_start3A_119] : memref<10x1x1000xi32, #tpu.memory_space<vmem>> -> memref<1x1x1000xi32, #tpu.memory_space<vmem>>
        %dma_start3A_121 = tpu.memref_squeeze %dma_start3A_120 : memref<1x1x1000xi32, #tpu.memory_space<vmem>> -> memref<1000xi32, #tpu.memory_space<vmem>>
        %dma_start3A_122 = arith.constant 0 : i32
        %dma_start3A_123 = arith.constant 0 : i32
        %dma_start3A_124 = tpu.memref_slice %arg11[%dma_start3A_122, %dma_start3A_123] : memref<10000x64xbf16, #tpu.memory_space<vmem_shared>> -> memref<10000x64xbf16, #tpu.memory_space<vmem_shared>>
        tpu.enqueue_indirect_dma source(%arg8 : memref<1000x64xbf16, #tpu.memory_space<vmem>>) target(%dma_start3A_124 : memref<10000x64xbf16, #tpu.memory_space<vmem_shared>>) offsets(%dma_start3A_121 : memref<1000xi32, #tpu.memory_space<vmem>>) semaphore(%run_scoped3A_118 : memref<!tpu.dma_semaphore, #tpu.memory_space<semaphore_mem>>) {add = true}
        %dma_wait3A_125 = arith.constant 0 : i32
        %dma_wait3A_126 = tpu.memref_slice %arg6[%add3A_97, %run_scoped3A_109, %dma_wait3A_125] : memref<10x1x1000xi32, #tpu.memory_space<vmem>> -> memref<1x1x1000xi32, #tpu.memory_space<vmem>>
        %dma_wait3A_127 = tpu.memref_squeeze %dma_wait3A_126 : memref<1x1x1000xi32, #tpu.memory_space<vmem>> -> memref<1000xi32, #tpu.memory_space<vmem>>
        %dma_wait3A_128 = arith.constant 0 : i32
        %dma_wait3A_129 = arith.constant 0 : i32
        %dma_wait3A_130 = tpu.memref_slice %arg11[%dma_wait3A_128, %dma_wait3A_129] : memref<10000x64xbf16, #tpu.memory_space<vmem_shared>> -> memref<10000x64xbf16, #tpu.memory_space<vmem_shared>>
        tpu.wait_indirect_dma semaphore(%run_scoped3A_118 : memref<!tpu.dma_semaphore, #tpu.memory_space<semaphore_mem>>) src(%arg8 : memref<1000x64xbf16, #tpu.memory_space<vmem>>) dst(%dma_wait3A_130 : memref<10000x64xbf16, #tpu.memory_space<vmem_shared>>)
        tpu.yield
      }) : () -> ()
      %add3A_110 = arith.constant 2 : i32
      %add3A_111 = arith.addi %add3A_97, %add3A_110 : i32
      %lt3A_112 = arith.constant 10 : i32
      %lt3A_113 = arith.cmpi slt, %add3A_111, %lt3A_112 : i32
      %convert_element_type3A_114 = arith.extui %lt3A_113 : i1 to i32
      %cond3A_115 = arith.constant 0 : i32
      %cond3A_116 = arith.cmpi ne, %convert_element_type3A_114, %cond3A_115 : i32
      scf.if %cond3A_116 {
        %add3A_118 = arith.constant 2 : i32
        %add3A_119 = arith.addi %add3A_97, %add3A_118 : i32
        %dma_start3A_120 = arith.constant 0 : i32
        %dma_start3A_121 = arith.constant 0 : i32
        %dma_start3A_122 = tpu.memref_slice %arg5[%add3A_119, %dma_start3A_120, %dma_start3A_121] : memref<10x1x1000xi32, #tpu.memory_space<vmem>> -> memref<1x1x1000xi32, #tpu.memory_space<vmem>>
        %dma_start3A_123 = tpu.memref_squeeze %dma_start3A_122 : memref<1x1x1000xi32, #tpu.memory_space<vmem>> -> memref<1000xi32, #tpu.memory_space<vmem>>
        %dma_start3A_124 = arith.constant 0 : i32
        %dma_start3A_125 = arith.constant 0 : i32
        %dma_start3A_126 = tpu.memref_slice %arg2[%arg0, %dma_start3A_124, %dma_start3A_125] : memref<2x10000x64xbf16, #tpu.memory_space<hbm>> -> memref<1x10000x64xbf16, #tpu.memory_space<hbm>>
        %dma_start3A_127 = tpu.memref_squeeze %dma_start3A_126 : memref<1x10000x64xbf16, #tpu.memory_space<hbm>> -> memref<10000x64xbf16, #tpu.memory_space<hbm>>
        %dma_start3A_128 = arith.constant 0 : i32
        %dma_start3A_129 = arith.constant 0 : i32
        %dma_start3A_130 = tpu.memref_slice %dma_start3A_127[%dma_start3A_128, %dma_start3A_129] : memref<10000x64xbf16, #tpu.memory_space<hbm>> -> memref<10000x64xbf16, #tpu.memory_space<hbm>>
        tpu.enqueue_indirect_dma source(%dma_start3A_130 : memref<10000x64xbf16, #tpu.memory_space<hbm>>) target(%arg8 : memref<1000x64xbf16, #tpu.memory_space<vmem>>) offsets(%dma_start3A_123 : memref<1000xi32, #tpu.memory_space<vmem>>) semaphore(%arg10 : memref<!tpu.dma_semaphore, #tpu.memory_space<semaphore_mem>>)
      } else {
      }
      %scan3A_117 = arith.constant 0 : i32
      scf.yield %scan3A_117 : i32
    }
    %scan3A_65 = arith.constant 5 : i32
    %barrier3A_66 = arith.constant 0 : index
    tpu.barrier barrier_id(%barrier3A_66)
    "tpu.region"() ({
      %run_scoped3A_72 = tpu.sem_alloc : memref<!tpu.dma_semaphore, #tpu.memory_space<semaphore_mem>>
      %dma_start3A_73 = arith.constant 0 : i32
      %dma_start3A_74 = tpu.memref_slice %arg4[%arg0, %mul3A_0, %dma_start3A_73] : memref<2x10000x64xbf16, #tpu.memory_space<hbm>> -> memref<1x624x64xbf16, #tpu.memory_space<hbm>>
      %dma_start3A_75 = tpu.memref_squeeze %dma_start3A_74 : memref<1x624x64xbf16, #tpu.memory_space<hbm>> -> memref<624x64xbf16, #tpu.memory_space<hbm>>
      %dma_start3A_76 = arith.constant 0 : i32
      %dma_start3A_77 = tpu.memref_slice %arg11[%mul3A_0, %dma_start3A_76] : memref<10000x64xbf16, #tpu.memory_space<vmem_shared>> -> memref<624x64xbf16, #tpu.memory_space<vmem_shared>>
      tpu.enqueue_dma source(%dma_start3A_77 : memref<624x64xbf16, #tpu.memory_space<vmem_shared>>) target(%dma_start3A_75 : memref<624x64xbf16, #tpu.memory_space<hbm>>) target_semaphore(%run_scoped3A_72 : memref<!tpu.dma_semaphore, #tpu.memory_space<semaphore_mem>>)
      %dma_wait3A = arith.constant 0 : i32
      %dma_wait3A_78 = tpu.memref_slice %arg4[%arg0, %mul3A_0, %dma_wait3A] : memref<2x10000x64xbf16, #tpu.memory_space<hbm>> -> memref<1x624x64xbf16, #tpu.memory_space<hbm>>
      %dma_wait3A_79 = tpu.memref_squeeze %dma_wait3A_78 : memref<1x624x64xbf16, #tpu.memory_space<hbm>> -> memref<624x64xbf16, #tpu.memory_space<hbm>>
      %dma_wait3A_80 = arith.constant 0 : i32
      %dma_wait3A_81 = tpu.memref_slice %arg11[%mul3A_0, %dma_wait3A_80] : memref<10000x64xbf16, #tpu.memory_space<vmem_shared>> -> memref<624x64xbf16, #tpu.memory_space<vmem_shared>>
      tpu.wait_dma2 semaphore(%run_scoped3A_72 : memref<!tpu.dma_semaphore, #tpu.memory_space<semaphore_mem>>) src(%dma_wait3A_81 : memref<624x64xbf16, #tpu.memory_space<vmem_shared>>) dst(%dma_wait3A_79 : memref<624x64xbf16, #tpu.memory_space<hbm>>)
      tpu.yield
    }) : () -> ()
    %eq3A_67 = arith.constant 0 : i32
    %eq3A_68 = arith.cmpi eq, %arg1, %eq3A_67 : i32
    %convert_element_type3A_69 = arith.extui %eq3A_68 : i1 to i32
    %cond3A_70 = arith.constant 0 : i32
    %cond3A_71 = arith.cmpi ne, %convert_element_type3A_69, %cond3A_70 : i32
    scf.if %cond3A_71 {
      "tpu.region"() ({
        %run_scoped3A_72 = tpu.sem_alloc : memref<!tpu.dma_semaphore, #tpu.memory_space<semaphore_mem>>
        %dma_start3A_73 = arith.constant 9984 : i32
        %dma_start3A_74 = arith.constant 0 : i32
        %dma_start3A_75 = tpu.memref_slice %arg4[%arg0, %dma_start3A_73, %dma_start3A_74] : memref<2x10000x64xbf16, #tpu.memory_space<hbm>> -> memref<1x16x64xbf16, #tpu.memory_space<hbm>>
        %dma_start3A_76 = tpu.memref_squeeze %dma_start3A_75 : memref<1x16x64xbf16, #tpu.memory_space<hbm>> -> memref<16x64xbf16, #tpu.memory_space<hbm>>
        %dma_start3A_77 = arith.constant 9984 : i32
        %dma_start3A_78 = arith.constant 0 : i32
        %dma_start3A_79 = tpu.memref_slice %arg11[%dma_start3A_77, %dma_start3A_78] : memref<10000x64xbf16, #tpu.memory_space<vmem_shared>> -> memref<16x64xbf16, #tpu.memory_space<vmem_shared>>
        tpu.enqueue_dma source(%dma_start3A_79 : memref<16x64xbf16, #tpu.memory_space<vmem_shared>>) target(%dma_start3A_76 : memref<16x64xbf16, #tpu.memory_space<hbm>>) target_semaphore(%run_scoped3A_72 : memref<!tpu.dma_semaphore, #tpu.memory_space<semaphore_mem>>)
        %dma_wait3A = arith.constant 9984 : i32
        %dma_wait3A_80 = arith.constant 0 : i32
        %dma_wait3A_81 = tpu.memref_slice %arg4[%arg0, %dma_wait3A, %dma_wait3A_80] : memref<2x10000x64xbf16, #tpu.memory_space<hbm>> -> memref<1x16x64xbf16, #tpu.memory_space<hbm>>
        %dma_wait3A_82 = tpu.memref_squeeze %dma_wait3A_81 : memref<1x16x64xbf16, #tpu.memory_space<hbm>> -> memref<16x64xbf16, #tpu.memory_space<hbm>>
        %dma_wait3A_83 = arith.constant 9984 : i32
        %dma_wait3A_84 = arith.constant 0 : i32
        %dma_wait3A_85 = tpu.memref_slice %arg11[%dma_wait3A_83, %dma_wait3A_84] : memref<10000x64xbf16, #tpu.memory_space<vmem_shared>> -> memref<16x64xbf16, #tpu.memory_space<vmem_shared>>
        tpu.wait_dma2 semaphore(%run_scoped3A_72 : memref<!tpu.dma_semaphore, #tpu.memory_space<semaphore_mem>>) src(%dma_wait3A_85 : memref<16x64xbf16, #tpu.memory_space<vmem_shared>>) dst(%dma_wait3A_82 : memref<16x64xbf16, #tpu.memory_space<hbm>>)
        tpu.yield
      }) : () -> ()
    } else {
    }
    return
  }
}

#map = affine_map<(d0, d1) -> (0, 0, 0, 0, 0)>
#map1 = affine_map<(d0, d1) -> (0, 0, 0)>
module attributes {stable_mosaic.version = 14 : i64} {
  func.func @_deg_kernel(%arg0: i32, %arg1: i32, %arg2: memref<2x16x20x1x1000xi32, #tpu.memory_space<hbm>>, %arg3: memref<2x10000x16xf32, #tpu.memory_space<hbm>>, %arg4: memref<624x16xf32, #tpu.memory_space<vmem>>, %arg5: memref<1000x16xf32, #tpu.memory_space<vmem>>, %arg6: memref<10x1x1000xi32, #tpu.memory_space<vmem>>, %arg7: memref<10000x16xf32, #tpu.memory_space<vmem_shared>>, %arg8: memref<!tpu.dma_semaphore, #tpu.memory_space<semaphore_mem>>) attributes {dimension_semantics = [#tpu.dimension_semantics<core_parallel>, #tpu.dimension_semantics<subcore_parallel>], iteration_bounds = array<i64: 2, 16>, scalar_prefetch = 0 : i64, scratch_operands = 5 : i64, tpu.core_type = #tpu.core_type<sc_vector_subcore>, window_params = [{transform_indices = #map}, {transform_indices = #map1}]} {
    %mul3A = arith.constant 624 : i32
    %mul3A_0 = arith.muli %arg1, %mul3A : i32
    %scan3A = arith.constant 0 : i32
    %scan3A_1 = arith.constant 0 : i32
    %scan3A_2 = arith.constant 624 : i32
    %scan3A_3 = arith.addi %scan3A_1, %scan3A_2 : i32
    %scan3A_4 = arith.constant 1 : i32
    %scan3A_5 = scf.for %scan3A_182 = %scan3A_1 to %scan3A_3 step %scan3A_4 iter_args(%scan3A_183 = %scan3A) -> (i32)  : i32 {
      %broadcast_in_dim3A = arith.constant 0.000000e+00 : f32
      %broadcast_in_dim3A_184 = vector.broadcast %broadcast_in_dim3A : f32 to vector<16xf32>
      %swap3A = arith.index_cast %scan3A_182 : i32 to index
      %swap3A_185 = arith.constant 0 : index
      %swap3A_186 = tpu.vector_load %arg4[%swap3A, %swap3A_185] {strides = array<i32>} : memref<624x16xf32, #tpu.memory_space<vmem>>, vector<1x16xf32>,
      %swap3A_187 = vector.shape_cast %swap3A_186 : vector<1x16xf32> to vector<16xf32>
      %swap3A_188 = vector.shape_cast %broadcast_in_dim3A_184 : vector<16xf32> to vector<1x16xf32>
      tpu.vector_store %arg4[%swap3A, %swap3A_185], %swap3A_188 {strides = array<i32>} : memref<624x16xf32, #tpu.memory_space<vmem>>, vector<1x16xf32>,
      %scan3A_189 = arith.constant 0 : i32
      scf.yield %scan3A_189 : i32
    }
    %scan3A_6 = arith.constant 624 : i32
    %scan3A_7 = arith.constant 0 : i32
    %scan3A_8 = arith.constant 0 : i32
    %scan3A_9 = arith.constant 1000 : i32
    %scan3A_10 = arith.addi %scan3A_8, %scan3A_9 : i32
    %scan3A_11 = arith.constant 1 : i32
    %scan3A_12 = scf.for %scan3A_182 = %scan3A_8 to %scan3A_10 step %scan3A_11 iter_args(%scan3A_183 = %scan3A_7) -> (i32)  : i32 {
      %broadcast_in_dim3A = arith.constant 1.000000e+00 : f32
      %broadcast_in_dim3A_184 = vector.broadcast %broadcast_in_dim3A : f32 to vector<16xf32>
      %swap3A = arith.index_cast %scan3A_182 : i32 to index
      %swap3A_185 = arith.constant 0 : index
      %swap3A_186 = tpu.vector_load %arg5[%swap3A, %swap3A_185] {strides = array<i32>} : memref<1000x16xf32, #tpu.memory_space<vmem>>, vector<1x16xf32>,
      %swap3A_187 = vector.shape_cast %swap3A_186 : vector<1x16xf32> to vector<16xf32>
      %swap3A_188 = vector.shape_cast %broadcast_in_dim3A_184 : vector<16xf32> to vector<1x16xf32>
      tpu.vector_store %arg5[%swap3A, %swap3A_185], %swap3A_188 {strides = array<i32>} : memref<1000x16xf32, #tpu.memory_space<vmem>>, vector<1x16xf32>,
      %scan3A_189 = arith.constant 0 : i32
      scf.yield %scan3A_189 : i32
    }
    %scan3A_13 = arith.constant 1000 : i32
    "tpu.region"() ({
      %run_scoped3A_182 = tpu.sem_alloc : memref<!tpu.dma_semaphore, #tpu.memory_space<semaphore_mem>>
      %dma_start3A_183 = arith.constant 0 : i32
      %dma_start3A_184 = tpu.memref_slice %arg7[%mul3A_0, %dma_start3A_183] : memref<10000x16xf32, #tpu.memory_space<vmem_shared>> -> memref<624x16xf32, #tpu.memory_space<vmem_shared>>
      %dma_start3A_185 = arith.constant 0 : i32
      %dma_start3A_186 = tpu.memref_slice %arg7[%mul3A_0, %dma_start3A_185] : memref<10000x16xf32, #tpu.memory_space<vmem_shared>> -> memref<624x16xf32, #tpu.memory_space<vmem_shared>>
      tpu.enqueue_dma source(%arg4 : memref<624x16xf32, #tpu.memory_space<vmem>>) target(%dma_start3A_186 : memref<624x16xf32, #tpu.memory_space<vmem_shared>>) target_semaphore(%run_scoped3A_182 : memref<!tpu.dma_semaphore, #tpu.memory_space<semaphore_mem>>)
      %dma_wait3A_187 = arith.constant 0 : i32
      %dma_wait3A_188 = tpu.memref_slice %arg7[%mul3A_0, %dma_wait3A_187] : memref<10000x16xf32, #tpu.memory_space<vmem_shared>> -> memref<624x16xf32, #tpu.memory_space<vmem_shared>>
      %dma_wait3A_189 = arith.constant 0 : i32
      %dma_wait3A_190 = tpu.memref_slice %arg7[%mul3A_0, %dma_wait3A_189] : memref<10000x16xf32, #tpu.memory_space<vmem_shared>> -> memref<624x16xf32, #tpu.memory_space<vmem_shared>>
      tpu.wait_dma2 semaphore(%run_scoped3A_182 : memref<!tpu.dma_semaphore, #tpu.memory_space<semaphore_mem>>) src(%arg4 : memref<624x16xf32, #tpu.memory_space<vmem>>) dst(%dma_wait3A_190 : memref<624x16xf32, #tpu.memory_space<vmem_shared>>)
      tpu.yield
    }) : () -> ()
    %eq3A = arith.constant 0 : i32
    %eq3A_14 = arith.cmpi eq, %arg1, %eq3A : i32
    %convert_element_type3A = arith.extui %eq3A_14 : i1 to i32
    %cond3A = arith.constant 0 : i32
    %cond3A_15 = arith.cmpi ne, %convert_element_type3A, %cond3A : i32
    scf.if %cond3A_15 {
      "tpu.region"() ({
        %run_scoped3A_182 = tpu.sem_alloc : memref<!tpu.dma_semaphore, #tpu.memory_space<semaphore_mem>>
        %dma_start3A_183 = arith.constant 0 : i32
        %dma_start3A_184 = arith.constant 0 : i32
        %dma_start3A_185 = tpu.memref_slice %arg4[%dma_start3A_183, %dma_start3A_184] : memref<624x16xf32, #tpu.memory_space<vmem>> -> memref<16x16xf32, #tpu.memory_space<vmem>>
        %dma_start3A_186 = arith.constant 9984 : i32
        %dma_start3A_187 = arith.constant 0 : i32
        %dma_start3A_188 = tpu.memref_slice %arg7[%dma_start3A_186, %dma_start3A_187] : memref<10000x16xf32, #tpu.memory_space<vmem_shared>> -> memref<16x16xf32, #tpu.memory_space<vmem_shared>>
        %dma_start3A_189 = arith.constant 9984 : i32
        %dma_start3A_190 = arith.constant 0 : i32
        %dma_start3A_191 = tpu.memref_slice %arg7[%dma_start3A_189, %dma_start3A_190] : memref<10000x16xf32, #tpu.memory_space<vmem_shared>> -> memref<16x16xf32, #tpu.memory_space<vmem_shared>>
        %dma_start3A_192 = arith.constant 0 : i32
        %dma_start3A_193 = arith.constant 0 : i32
        %dma_start3A_194 = tpu.memref_slice %arg4[%dma_start3A_192, %dma_start3A_193] : memref<624x16xf32, #tpu.memory_space<vmem>> -> memref<16x16xf32, #tpu.memory_space<vmem>>
        tpu.enqueue_dma source(%dma_start3A_194 : memref<16x16xf32, #tpu.memory_space<vmem>>) target(%dma_start3A_191 : memref<16x16xf32, #tpu.memory_space<vmem_shared>>) target_semaphore(%run_scoped3A_182 : memref<!tpu.dma_semaphore, #tpu.memory_space<semaphore_mem>>)
        %dma_wait3A_195 = arith.constant 0 : i32
        %dma_wait3A_196 = arith.constant 0 : i32
        %dma_wait3A_197 = tpu.memref_slice %arg4[%dma_wait3A_195, %dma_wait3A_196] : memref<624x16xf32, #tpu.memory_space<vmem>> -> memref<16x16xf32, #tpu.memory_space<vmem>>
        %dma_wait3A_198 = arith.constant 9984 : i32
        %dma_wait3A_199 = arith.constant 0 : i32
        %dma_wait3A_200 = tpu.memref_slice %arg7[%dma_wait3A_198, %dma_wait3A_199] : memref<10000x16xf32, #tpu.memory_space<vmem_shared>> -> memref<16x16xf32, #tpu.memory_space<vmem_shared>>
        %dma_wait3A_201 = arith.constant 9984 : i32
        %dma_wait3A_202 = arith.constant 0 : i32
        %dma_wait3A_203 = tpu.memref_slice %arg7[%dma_wait3A_201, %dma_wait3A_202] : memref<10000x16xf32, #tpu.memory_space<vmem_shared>> -> memref<16x16xf32, #tpu.memory_space<vmem_shared>>
        %dma_wait3A_204 = arith.constant 0 : i32
        %dma_wait3A_205 = arith.constant 0 : i32
        %dma_wait3A_206 = tpu.memref_slice %arg4[%dma_wait3A_204, %dma_wait3A_205] : memref<624x16xf32, #tpu.memory_space<vmem>> -> memref<16x16xf32, #tpu.memory_space<vmem>>
        tpu.wait_dma2 semaphore(%run_scoped3A_182 : memref<!tpu.dma_semaphore, #tpu.memory_space<semaphore_mem>>) src(%dma_wait3A_206 : memref<16x16xf32, #tpu.memory_space<vmem>>) dst(%dma_wait3A_203 : memref<16x16xf32, #tpu.memory_space<vmem_shared>>)
        tpu.yield
      }) : () -> ()
    } else {
    }
    %mul3A_16 = arith.constant 10 : i32
    %mul3A_17 = arith.muli %arg0, %mul3A_16 : i32
    %run_scoped3A = arith.constant 1 : i32
    "tpu.region"() ({
      %run_scoped3A_182 = tpu.sem_alloc : memref<!tpu.dma_semaphore, #tpu.memory_space<semaphore_mem>>
      %dma_start3A_183 = arith.constant 0 : i32
      %dma_start3A_184 = arith.constant 0 : i32
      %dma_start3A_185 = tpu.memref_slice %arg2[%run_scoped3A, %arg1, %mul3A_17, %dma_start3A_183, %dma_start3A_184] : memref<2x16x20x1x1000xi32, #tpu.memory_space<hbm>> -> memref<1x1x10x1x1000xi32, #tpu.memory_space<hbm>>
      %dma_start3A_186 = tpu.memref_squeeze %dma_start3A_185 : memref<1x1x10x1x1000xi32, #tpu.memory_space<hbm>> -> memref<10x1x1000xi32, #tpu.memory_space<hbm>>
      %dma_start3A_187 = arith.constant 0 : i32
      %dma_start3A_188 = arith.constant 0 : i32
      %dma_start3A_189 = tpu.memref_slice %arg2[%run_scoped3A, %arg1, %mul3A_17, %dma_start3A_187, %dma_start3A_188] : memref<2x16x20x1x1000xi32, #tpu.memory_space<hbm>> -> memref<1x1x10x1x1000xi32, #tpu.memory_space<hbm>>
      %dma_start3A_190 = tpu.memref_squeeze %dma_start3A_189 : memref<1x1x10x1x1000xi32, #tpu.memory_space<hbm>> -> memref<10x1x1000xi32, #tpu.memory_space<hbm>>
      tpu.enqueue_dma source(%dma_start3A_190 : memref<10x1x1000xi32, #tpu.memory_space<hbm>>) target(%arg6 : memref<10x1x1000xi32, #tpu.memory_space<vmem>>) target_semaphore(%run_scoped3A_182 : memref<!tpu.dma_semaphore, #tpu.memory_space<semaphore_mem>>)
      %dma_wait3A_191 = arith.constant 0 : i32
      %dma_wait3A_192 = arith.constant 0 : i32
      %dma_wait3A_193 = tpu.memref_slice %arg2[%run_scoped3A, %arg1, %mul3A_17, %dma_wait3A_191, %dma_wait3A_192] : memref<2x16x20x1x1000xi32, #tpu.memory_space<hbm>> -> memref<1x1x10x1x1000xi32, #tpu.memory_space<hbm>>
      %dma_wait3A_194 = tpu.memref_squeeze %dma_wait3A_193 : memref<1x1x10x1x1000xi32, #tpu.memory_space<hbm>> -> memref<10x1x1000xi32, #tpu.memory_space<hbm>>
      %dma_wait3A_195 = arith.constant 0 : i32
      %dma_wait3A_196 = arith.constant 0 : i32
      %dma_wait3A_197 = tpu.memref_slice %arg2[%run_scoped3A, %arg1, %mul3A_17, %dma_wait3A_195, %dma_wait3A_196] : memref<2x16x20x1x1000xi32, #tpu.memory_space<hbm>> -> memref<1x1x10x1x1000xi32, #tpu.memory_space<hbm>>
      %dma_wait3A_198 = tpu.memref_squeeze %dma_wait3A_197 : memref<1x1x10x1x1000xi32, #tpu.memory_space<hbm>> -> memref<10x1x1000xi32, #tpu.memory_space<hbm>>
      tpu.wait_dma2 semaphore(%run_scoped3A_182 : memref<!tpu.dma_semaphore, #tpu.memory_space<semaphore_mem>>) src(%dma_wait3A_198 : memref<10x1x1000xi32, #tpu.memory_space<hbm>>) dst(%arg6 : memref<10x1x1000xi32, #tpu.memory_space<vmem>>)
      tpu.yield
    }) : () -> ()
    %barrier3A = arith.constant 0 : index
    tpu.barrier barrier_id(%barrier3A)
    %dma_start3A = arith.constant 0 : i32
    %dma_start3A_18 = arith.constant 0 : i32
    %dma_start3A_19 = arith.constant 0 : i32
    %dma_start3A_20 = tpu.memref_slice %arg6[%dma_start3A, %dma_start3A_18, %dma_start3A_19] : memref<10x1x1000xi32, #tpu.memory_space<vmem>> -> memref<1x1x1000xi32, #tpu.memory_space<vmem>>
    %dma_start3A_21 = tpu.memref_squeeze %dma_start3A_20 : memref<1x1x1000xi32, #tpu.memory_space<vmem>> -> memref<1000xi32, #tpu.memory_space<vmem>>
    %dma_start3A_22 = arith.constant 0 : i32
    %dma_start3A_23 = arith.constant 0 : i32
    %dma_start3A_24 = tpu.memref_slice %arg7[%dma_start3A_22, %dma_start3A_23] : memref<10000x16xf32, #tpu.memory_space<vmem_shared>> -> memref<10000x16xf32, #tpu.memory_space<vmem_shared>>
    tpu.enqueue_indirect_dma source(%arg5 : memref<1000x16xf32, #tpu.memory_space<vmem>>) target(%dma_start3A_24 : memref<10000x16xf32, #tpu.memory_space<vmem_shared>>) offsets(%dma_start3A_21 : memref<1000xi32, #tpu.memory_space<vmem>>) semaphore(%arg8 : memref<!tpu.dma_semaphore, #tpu.memory_space<semaphore_mem>>) {add = true}
    %dma_start3A_25 = arith.constant 1 : i32
    %dma_start3A_26 = arith.constant 0 : i32
    %dma_start3A_27 = arith.constant 0 : i32
    %dma_start3A_28 = tpu.memref_slice %arg6[%dma_start3A_25, %dma_start3A_26, %dma_start3A_27] : memref<10x1x1000xi32, #tpu.memory_space<vmem>> -> memref<1x1x1000xi32, #tpu.memory_space<vmem>>
    %dma_start3A_29 = tpu.memref_squeeze %dma_start3A_28 : memref<1x1x1000xi32, #tpu.memory_space<vmem>> -> memref<1000xi32, #tpu.memory_space<vmem>>
    %dma_start3A_30 = arith.constant 0 : i32
    %dma_start3A_31 = arith.constant 0 : i32
    %dma_start3A_32 = tpu.memref_slice %arg7[%dma_start3A_30, %dma_start3A_31] : memref<10000x16xf32, #tpu.memory_space<vmem_shared>> -> memref<10000x16xf32, #tpu.memory_space<vmem_shared>>
    tpu.enqueue_indirect_dma source(%arg5 : memref<1000x16xf32, #tpu.memory_space<vmem>>) target(%dma_start3A_32 : memref<10000x16xf32, #tpu.memory_space<vmem_shared>>) offsets(%dma_start3A_29 : memref<1000xi32, #tpu.memory_space<vmem>>) semaphore(%arg8 : memref<!tpu.dma_semaphore, #tpu.memory_space<semaphore_mem>>) {add = true}
    %dma_start3A_33 = arith.constant 2 : i32
    %dma_start3A_34 = arith.constant 0 : i32
    %dma_start3A_35 = arith.constant 0 : i32
    %dma_start3A_36 = tpu.memref_slice %arg6[%dma_start3A_33, %dma_start3A_34, %dma_start3A_35] : memref<10x1x1000xi32, #tpu.memory_space<vmem>> -> memref<1x1x1000xi32, #tpu.memory_space<vmem>>
    %dma_start3A_37 = tpu.memref_squeeze %dma_start3A_36 : memref<1x1x1000xi32, #tpu.memory_space<vmem>> -> memref<1000xi32, #tpu.memory_space<vmem>>
    %dma_start3A_38 = arith.constant 0 : i32
    %dma_start3A_39 = arith.constant 0 : i32
    %dma_start3A_40 = tpu.memref_slice %arg7[%dma_start3A_38, %dma_start3A_39] : memref<10000x16xf32, #tpu.memory_space<vmem_shared>> -> memref<10000x16xf32, #tpu.memory_space<vmem_shared>>
    tpu.enqueue_indirect_dma source(%arg5 : memref<1000x16xf32, #tpu.memory_space<vmem>>) target(%dma_start3A_40 : memref<10000x16xf32, #tpu.memory_space<vmem_shared>>) offsets(%dma_start3A_37 : memref<1000xi32, #tpu.memory_space<vmem>>) semaphore(%arg8 : memref<!tpu.dma_semaphore, #tpu.memory_space<semaphore_mem>>) {add = true}
    %dma_start3A_41 = arith.constant 3 : i32
    %dma_start3A_42 = arith.constant 0 : i32
    %dma_start3A_43 = arith.constant 0 : i32
    %dma_start3A_44 = tpu.memref_slice %arg6[%dma_start3A_41, %dma_start3A_42, %dma_start3A_43] : memref<10x1x1000xi32, #tpu.memory_space<vmem>> -> memref<1x1x1000xi32, #tpu.memory_space<vmem>>
    %dma_start3A_45 = tpu.memref_squeeze %dma_start3A_44 : memref<1x1x1000xi32, #tpu.memory_space<vmem>> -> memref<1000xi32, #tpu.memory_space<vmem>>
    %dma_start3A_46 = arith.constant 0 : i32
    %dma_start3A_47 = arith.constant 0 : i32
    %dma_start3A_48 = tpu.memref_slice %arg7[%dma_start3A_46, %dma_start3A_47] : memref<10000x16xf32, #tpu.memory_space<vmem_shared>> -> memref<10000x16xf32, #tpu.memory_space<vmem_shared>>
    tpu.enqueue_indirect_dma source(%arg5 : memref<1000x16xf32, #tpu.memory_space<vmem>>) target(%dma_start3A_48 : memref<10000x16xf32, #tpu.memory_space<vmem_shared>>) offsets(%dma_start3A_45 : memref<1000xi32, #tpu.memory_space<vmem>>) semaphore(%arg8 : memref<!tpu.dma_semaphore, #tpu.memory_space<semaphore_mem>>) {add = true}
    %dma_start3A_49 = arith.constant 4 : i32
    %dma_start3A_50 = arith.constant 0 : i32
    %dma_start3A_51 = arith.constant 0 : i32
    %dma_start3A_52 = tpu.memref_slice %arg6[%dma_start3A_49, %dma_start3A_50, %dma_start3A_51] : memref<10x1x1000xi32, #tpu.memory_space<vmem>> -> memref<1x1x1000xi32, #tpu.memory_space<vmem>>
    %dma_start3A_53 = tpu.memref_squeeze %dma_start3A_52 : memref<1x1x1000xi32, #tpu.memory_space<vmem>> -> memref<1000xi32, #tpu.memory_space<vmem>>
    %dma_start3A_54 = arith.constant 0 : i32
    %dma_start3A_55 = arith.constant 0 : i32
    %dma_start3A_56 = tpu.memref_slice %arg7[%dma_start3A_54, %dma_start3A_55] : memref<10000x16xf32, #tpu.memory_space<vmem_shared>> -> memref<10000x16xf32, #tpu.memory_space<vmem_shared>>
    tpu.enqueue_indirect_dma source(%arg5 : memref<1000x16xf32, #tpu.memory_space<vmem>>) target(%dma_start3A_56 : memref<10000x16xf32, #tpu.memory_space<vmem_shared>>) offsets(%dma_start3A_53 : memref<1000xi32, #tpu.memory_space<vmem>>) semaphore(%arg8 : memref<!tpu.dma_semaphore, #tpu.memory_space<semaphore_mem>>) {add = true}
    %dma_wait3A = arith.constant 0 : i32
    %dma_wait3A_57 = arith.constant 0 : i32
    %dma_wait3A_58 = arith.constant 0 : i32
    %dma_wait3A_59 = tpu.memref_slice %arg6[%dma_wait3A, %dma_wait3A_57, %dma_wait3A_58] : memref<10x1x1000xi32, #tpu.memory_space<vmem>> -> memref<1x1x1000xi32, #tpu.memory_space<vmem>>
    %dma_wait3A_60 = tpu.memref_squeeze %dma_wait3A_59 : memref<1x1x1000xi32, #tpu.memory_space<vmem>> -> memref<1000xi32, #tpu.memory_space<vmem>>
    %dma_wait3A_61 = arith.constant 0 : i32
    %dma_wait3A_62 = arith.constant 0 : i32
    %dma_wait3A_63 = tpu.memref_slice %arg7[%dma_wait3A_61, %dma_wait3A_62] : memref<10000x16xf32, #tpu.memory_space<vmem_shared>> -> memref<10000x16xf32, #tpu.memory_space<vmem_shared>>
    tpu.wait_indirect_dma semaphore(%arg8 : memref<!tpu.dma_semaphore, #tpu.memory_space<semaphore_mem>>) src(%arg5 : memref<1000x16xf32, #tpu.memory_space<vmem>>) dst(%dma_wait3A_63 : memref<10000x16xf32, #tpu.memory_space<vmem_shared>>)
    %dma_wait3A_64 = arith.constant 1 : i32
    %dma_wait3A_65 = arith.constant 0 : i32
    %dma_wait3A_66 = arith.constant 0 : i32
    %dma_wait3A_67 = tpu.memref_slice %arg6[%dma_wait3A_64, %dma_wait3A_65, %dma_wait3A_66] : memref<10x1x1000xi32, #tpu.memory_space<vmem>> -> memref<1x1x1000xi32, #tpu.memory_space<vmem>>
    %dma_wait3A_68 = tpu.memref_squeeze %dma_wait3A_67 : memref<1x1x1000xi32, #tpu.memory_space<vmem>> -> memref<1000xi32, #tpu.memory_space<vmem>>
    %dma_wait3A_69 = arith.constant 0 : i32
    %dma_wait3A_70 = arith.constant 0 : i32
    %dma_wait3A_71 = tpu.memref_slice %arg7[%dma_wait3A_69, %dma_wait3A_70] : memref<10000x16xf32, #tpu.memory_space<vmem_shared>> -> memref<10000x16xf32, #tpu.memory_space<vmem_shared>>
    tpu.wait_indirect_dma semaphore(%arg8 : memref<!tpu.dma_semaphore, #tpu.memory_space<semaphore_mem>>) src(%arg5 : memref<1000x16xf32, #tpu.memory_space<vmem>>) dst(%dma_wait3A_71 : memref<10000x16xf32, #tpu.memory_space<vmem_shared>>)
    %dma_wait3A_72 = arith.constant 2 : i32
    %dma_wait3A_73 = arith.constant 0 : i32
    %dma_wait3A_74 = arith.constant 0 : i32
    %dma_wait3A_75 = tpu.memref_slice %arg6[%dma_wait3A_72, %dma_wait3A_73, %dma_wait3A_74] : memref<10x1x1000xi32, #tpu.memory_space<vmem>> -> memref<1x1x1000xi32, #tpu.memory_space<vmem>>
    %dma_wait3A_76 = tpu.memref_squeeze %dma_wait3A_75 : memref<1x1x1000xi32, #tpu.memory_space<vmem>> -> memref<1000xi32, #tpu.memory_space<vmem>>
    %dma_wait3A_77 = arith.constant 0 : i32
    %dma_wait3A_78 = arith.constant 0 : i32
    %dma_wait3A_79 = tpu.memref_slice %arg7[%dma_wait3A_77, %dma_wait3A_78] : memref<10000x16xf32, #tpu.memory_space<vmem_shared>> -> memref<10000x16xf32, #tpu.memory_space<vmem_shared>>
    tpu.wait_indirect_dma semaphore(%arg8 : memref<!tpu.dma_semaphore, #tpu.memory_space<semaphore_mem>>) src(%arg5 : memref<1000x16xf32, #tpu.memory_space<vmem>>) dst(%dma_wait3A_79 : memref<10000x16xf32, #tpu.memory_space<vmem_shared>>)
    %dma_wait3A_80 = arith.constant 3 : i32
    %dma_wait3A_81 = arith.constant 0 : i32
    %dma_wait3A_82 = arith.constant 0 : i32
    %dma_wait3A_83 = tpu.memref_slice %arg6[%dma_wait3A_80, %dma_wait3A_81, %dma_wait3A_82] : memref<10x1x1000xi32, #tpu.memory_space<vmem>> -> memref<1x1x1000xi32, #tpu.memory_space<vmem>>
    %dma_wait3A_84 = tpu.memref_squeeze %dma_wait3A_83 : memref<1x1x1000xi32, #tpu.memory_space<vmem>> -> memref<1000xi32, #tpu.memory_space<vmem>>
    %dma_wait3A_85 = arith.constant 0 : i32
    %dma_wait3A_86 = arith.constant 0 : i32
    %dma_wait3A_87 = tpu.memref_slice %arg7[%dma_wait3A_85, %dma_wait3A_86] : memref<10000x16xf32, #tpu.memory_space<vmem_shared>> -> memref<10000x16xf32, #tpu.memory_space<vmem_shared>>
    tpu.wait_indirect_dma semaphore(%arg8 : memref<!tpu.dma_semaphore, #tpu.memory_space<semaphore_mem>>) src(%arg5 : memref<1000x16xf32, #tpu.memory_space<vmem>>) dst(%dma_wait3A_87 : memref<10000x16xf32, #tpu.memory_space<vmem_shared>>)
    %dma_wait3A_88 = arith.constant 4 : i32
    %dma_wait3A_89 = arith.constant 0 : i32
    %dma_wait3A_90 = arith.constant 0 : i32
    %dma_wait3A_91 = tpu.memref_slice %arg6[%dma_wait3A_88, %dma_wait3A_89, %dma_wait3A_90] : memref<10x1x1000xi32, #tpu.memory_space<vmem>> -> memref<1x1x1000xi32, #tpu.memory_space<vmem>>
    %dma_wait3A_92 = tpu.memref_squeeze %dma_wait3A_91 : memref<1x1x1000xi32, #tpu.memory_space<vmem>> -> memref<1000xi32, #tpu.memory_space<vmem>>
    %dma_wait3A_93 = arith.constant 0 : i32
    %dma_wait3A_94 = arith.constant 0 : i32
    %dma_wait3A_95 = tpu.memref_slice %arg7[%dma_wait3A_93, %dma_wait3A_94] : memref<10000x16xf32, #tpu.memory_space<vmem_shared>> -> memref<10000x16xf32, #tpu.memory_space<vmem_shared>>
    tpu.wait_indirect_dma semaphore(%arg8 : memref<!tpu.dma_semaphore, #tpu.memory_space<semaphore_mem>>) src(%arg5 : memref<1000x16xf32, #tpu.memory_space<vmem>>) dst(%dma_wait3A_95 : memref<10000x16xf32, #tpu.memory_space<vmem_shared>>)
    %dma_start3A_96 = arith.constant 5 : i32
    %dma_start3A_97 = arith.constant 0 : i32
    %dma_start3A_98 = arith.constant 0 : i32
    %dma_start3A_99 = tpu.memref_slice %arg6[%dma_start3A_96, %dma_start3A_97, %dma_start3A_98] : memref<10x1x1000xi32, #tpu.memory_space<vmem>> -> memref<1x1x1000xi32, #tpu.memory_space<vmem>>
    %dma_start3A_100 = tpu.memref_squeeze %dma_start3A_99 : memref<1x1x1000xi32, #tpu.memory_space<vmem>> -> memref<1000xi32, #tpu.memory_space<vmem>>
    %dma_start3A_101 = arith.constant 0 : i32
    %dma_start3A_102 = arith.constant 0 : i32
    %dma_start3A_103 = tpu.memref_slice %arg7[%dma_start3A_101, %dma_start3A_102] : memref<10000x16xf32, #tpu.memory_space<vmem_shared>> -> memref<10000x16xf32, #tpu.memory_space<vmem_shared>>
    tpu.enqueue_indirect_dma source(%arg5 : memref<1000x16xf32, #tpu.memory_space<vmem>>) target(%dma_start3A_103 : memref<10000x16xf32, #tpu.memory_space<vmem_shared>>) offsets(%dma_start3A_100 : memref<1000xi32, #tpu.memory_space<vmem>>) semaphore(%arg8 : memref<!tpu.dma_semaphore, #tpu.memory_space<semaphore_mem>>) {add = true}
    %dma_start3A_104 = arith.constant 6 : i32
    %dma_start3A_105 = arith.constant 0 : i32
    %dma_start3A_106 = arith.constant 0 : i32
    %dma_start3A_107 = tpu.memref_slice %arg6[%dma_start3A_104, %dma_start3A_105, %dma_start3A_106] : memref<10x1x1000xi32, #tpu.memory_space<vmem>> -> memref<1x1x1000xi32, #tpu.memory_space<vmem>>
    %dma_start3A_108 = tpu.memref_squeeze %dma_start3A_107 : memref<1x1x1000xi32, #tpu.memory_space<vmem>> -> memref<1000xi32, #tpu.memory_space<vmem>>
    %dma_start3A_109 = arith.constant 0 : i32
    %dma_start3A_110 = arith.constant 0 : i32
    %dma_start3A_111 = tpu.memref_slice %arg7[%dma_start3A_109, %dma_start3A_110] : memref<10000x16xf32, #tpu.memory_space<vmem_shared>> -> memref<10000x16xf32, #tpu.memory_space<vmem_shared>>
    tpu.enqueue_indirect_dma source(%arg5 : memref<1000x16xf32, #tpu.memory_space<vmem>>) target(%dma_start3A_111 : memref<10000x16xf32, #tpu.memory_space<vmem_shared>>) offsets(%dma_start3A_108 : memref<1000xi32, #tpu.memory_space<vmem>>) semaphore(%arg8 : memref<!tpu.dma_semaphore, #tpu.memory_space<semaphore_mem>>) {add = true}
    %dma_start3A_112 = arith.constant 7 : i32
    %dma_start3A_113 = arith.constant 0 : i32
    %dma_start3A_114 = arith.constant 0 : i32
    %dma_start3A_115 = tpu.memref_slice %arg6[%dma_start3A_112, %dma_start3A_113, %dma_start3A_114] : memref<10x1x1000xi32, #tpu.memory_space<vmem>> -> memref<1x1x1000xi32, #tpu.memory_space<vmem>>
    %dma_start3A_116 = tpu.memref_squeeze %dma_start3A_115 : memref<1x1x1000xi32, #tpu.memory_space<vmem>> -> memref<1000xi32, #tpu.memory_space<vmem>>
    %dma_start3A_117 = arith.constant 0 : i32
    %dma_start3A_118 = arith.constant 0 : i32
    %dma_start3A_119 = tpu.memref_slice %arg7[%dma_start3A_117, %dma_start3A_118] : memref<10000x16xf32, #tpu.memory_space<vmem_shared>> -> memref<10000x16xf32, #tpu.memory_space<vmem_shared>>
    tpu.enqueue_indirect_dma source(%arg5 : memref<1000x16xf32, #tpu.memory_space<vmem>>) target(%dma_start3A_119 : memref<10000x16xf32, #tpu.memory_space<vmem_shared>>) offsets(%dma_start3A_116 : memref<1000xi32, #tpu.memory_space<vmem>>) semaphore(%arg8 : memref<!tpu.dma_semaphore, #tpu.memory_space<semaphore_mem>>) {add = true}
    %dma_start3A_120 = arith.constant 8 : i32
    %dma_start3A_121 = arith.constant 0 : i32
    %dma_start3A_122 = arith.constant 0 : i32
    %dma_start3A_123 = tpu.memref_slice %arg6[%dma_start3A_120, %dma_start3A_121, %dma_start3A_122] : memref<10x1x1000xi32, #tpu.memory_space<vmem>> -> memref<1x1x1000xi32, #tpu.memory_space<vmem>>
    %dma_start3A_124 = tpu.memref_squeeze %dma_start3A_123 : memref<1x1x1000xi32, #tpu.memory_space<vmem>> -> memref<1000xi32, #tpu.memory_space<vmem>>
    %dma_start3A_125 = arith.constant 0 : i32
    %dma_start3A_126 = arith.constant 0 : i32
    %dma_start3A_127 = tpu.memref_slice %arg7[%dma_start3A_125, %dma_start3A_126] : memref<10000x16xf32, #tpu.memory_space<vmem_shared>> -> memref<10000x16xf32, #tpu.memory_space<vmem_shared>>
    tpu.enqueue_indirect_dma source(%arg5 : memref<1000x16xf32, #tpu.memory_space<vmem>>) target(%dma_start3A_127 : memref<10000x16xf32, #tpu.memory_space<vmem_shared>>) offsets(%dma_start3A_124 : memref<1000xi32, #tpu.memory_space<vmem>>) semaphore(%arg8 : memref<!tpu.dma_semaphore, #tpu.memory_space<semaphore_mem>>) {add = true}
    %dma_start3A_128 = arith.constant 9 : i32
    %dma_start3A_129 = arith.constant 0 : i32
    %dma_start3A_130 = arith.constant 0 : i32
    %dma_start3A_131 = tpu.memref_slice %arg6[%dma_start3A_128, %dma_start3A_129, %dma_start3A_130] : memref<10x1x1000xi32, #tpu.memory_space<vmem>> -> memref<1x1x1000xi32, #tpu.memory_space<vmem>>
    %dma_start3A_132 = tpu.memref_squeeze %dma_start3A_131 : memref<1x1x1000xi32, #tpu.memory_space<vmem>> -> memref<1000xi32, #tpu.memory_space<vmem>>
    %dma_start3A_133 = arith.constant 0 : i32
    %dma_start3A_134 = arith.constant 0 : i32
    %dma_start3A_135 = tpu.memref_slice %arg7[%dma_start3A_133, %dma_start3A_134] : memref<10000x16xf32, #tpu.memory_space<vmem_shared>> -> memref<10000x16xf32, #tpu.memory_space<vmem_shared>>
    tpu.enqueue_indirect_dma source(%arg5 : memref<1000x16xf32, #tpu.memory_space<vmem>>) target(%dma_start3A_135 : memref<10000x16xf32, #tpu.memory_space<vmem_shared>>) offsets(%dma_start3A_132 : memref<1000xi32, #tpu.memory_space<vmem>>) semaphore(%arg8 : memref<!tpu.dma_semaphore, #tpu.memory_space<semaphore_mem>>) {add = true}
    %dma_wait3A_136 = arith.constant 5 : i32
    %dma_wait3A_137 = arith.constant 0 : i32
    %dma_wait3A_138 = arith.constant 0 : i32
    %dma_wait3A_139 = tpu.memref_slice %arg6[%dma_wait3A_136, %dma_wait3A_137, %dma_wait3A_138] : memref<10x1x1000xi32, #tpu.memory_space<vmem>> -> memref<1x1x1000xi32, #tpu.memory_space<vmem>>
    %dma_wait3A_140 = tpu.memref_squeeze %dma_wait3A_139 : memref<1x1x1000xi32, #tpu.memory_space<vmem>> -> memref<1000xi32, #tpu.memory_space<vmem>>
    %dma_wait3A_141 = arith.constant 0 : i32
    %dma_wait3A_142 = arith.constant 0 : i32
    %dma_wait3A_143 = tpu.memref_slice %arg7[%dma_wait3A_141, %dma_wait3A_142] : memref<10000x16xf32, #tpu.memory_space<vmem_shared>> -> memref<10000x16xf32, #tpu.memory_space<vmem_shared>>
    tpu.wait_indirect_dma semaphore(%arg8 : memref<!tpu.dma_semaphore, #tpu.memory_space<semaphore_mem>>) src(%arg5 : memref<1000x16xf32, #tpu.memory_space<vmem>>) dst(%dma_wait3A_143 : memref<10000x16xf32, #tpu.memory_space<vmem_shared>>)
    %dma_wait3A_144 = arith.constant 6 : i32
    %dma_wait3A_145 = arith.constant 0 : i32
    %dma_wait3A_146 = arith.constant 0 : i32
    %dma_wait3A_147 = tpu.memref_slice %arg6[%dma_wait3A_144, %dma_wait3A_145, %dma_wait3A_146] : memref<10x1x1000xi32, #tpu.memory_space<vmem>> -> memref<1x1x1000xi32, #tpu.memory_space<vmem>>
    %dma_wait3A_148 = tpu.memref_squeeze %dma_wait3A_147 : memref<1x1x1000xi32, #tpu.memory_space<vmem>> -> memref<1000xi32, #tpu.memory_space<vmem>>
    %dma_wait3A_149 = arith.constant 0 : i32
    %dma_wait3A_150 = arith.constant 0 : i32
    %dma_wait3A_151 = tpu.memref_slice %arg7[%dma_wait3A_149, %dma_wait3A_150] : memref<10000x16xf32, #tpu.memory_space<vmem_shared>> -> memref<10000x16xf32, #tpu.memory_space<vmem_shared>>
    tpu.wait_indirect_dma semaphore(%arg8 : memref<!tpu.dma_semaphore, #tpu.memory_space<semaphore_mem>>) src(%arg5 : memref<1000x16xf32, #tpu.memory_space<vmem>>) dst(%dma_wait3A_151 : memref<10000x16xf32, #tpu.memory_space<vmem_shared>>)
    %dma_wait3A_152 = arith.constant 7 : i32
    %dma_wait3A_153 = arith.constant 0 : i32
    %dma_wait3A_154 = arith.constant 0 : i32
    %dma_wait3A_155 = tpu.memref_slice %arg6[%dma_wait3A_152, %dma_wait3A_153, %dma_wait3A_154] : memref<10x1x1000xi32, #tpu.memory_space<vmem>> -> memref<1x1x1000xi32, #tpu.memory_space<vmem>>
    %dma_wait3A_156 = tpu.memref_squeeze %dma_wait3A_155 : memref<1x1x1000xi32, #tpu.memory_space<vmem>> -> memref<1000xi32, #tpu.memory_space<vmem>>
    %dma_wait3A_157 = arith.constant 0 : i32
    %dma_wait3A_158 = arith.constant 0 : i32
    %dma_wait3A_159 = tpu.memref_slice %arg7[%dma_wait3A_157, %dma_wait3A_158] : memref<10000x16xf32, #tpu.memory_space<vmem_shared>> -> memref<10000x16xf32, #tpu.memory_space<vmem_shared>>
    tpu.wait_indirect_dma semaphore(%arg8 : memref<!tpu.dma_semaphore, #tpu.memory_space<semaphore_mem>>) src(%arg5 : memref<1000x16xf32, #tpu.memory_space<vmem>>) dst(%dma_wait3A_159 : memref<10000x16xf32, #tpu.memory_space<vmem_shared>>)
    %dma_wait3A_160 = arith.constant 8 : i32
    %dma_wait3A_161 = arith.constant 0 : i32
    %dma_wait3A_162 = arith.constant 0 : i32
    %dma_wait3A_163 = tpu.memref_slice %arg6[%dma_wait3A_160, %dma_wait3A_161, %dma_wait3A_162] : memref<10x1x1000xi32, #tpu.memory_space<vmem>> -> memref<1x1x1000xi32, #tpu.memory_space<vmem>>
    %dma_wait3A_164 = tpu.memref_squeeze %dma_wait3A_163 : memref<1x1x1000xi32, #tpu.memory_space<vmem>> -> memref<1000xi32, #tpu.memory_space<vmem>>
    %dma_wait3A_165 = arith.constant 0 : i32
    %dma_wait3A_166 = arith.constant 0 : i32
    %dma_wait3A_167 = tpu.memref_slice %arg7[%dma_wait3A_165, %dma_wait3A_166] : memref<10000x16xf32, #tpu.memory_space<vmem_shared>> -> memref<10000x16xf32, #tpu.memory_space<vmem_shared>>
    tpu.wait_indirect_dma semaphore(%arg8 : memref<!tpu.dma_semaphore, #tpu.memory_space<semaphore_mem>>) src(%arg5 : memref<1000x16xf32, #tpu.memory_space<vmem>>) dst(%dma_wait3A_167 : memref<10000x16xf32, #tpu.memory_space<vmem_shared>>)
    %dma_wait3A_168 = arith.constant 9 : i32
    %dma_wait3A_169 = arith.constant 0 : i32
    %dma_wait3A_170 = arith.constant 0 : i32
    %dma_wait3A_171 = tpu.memref_slice %arg6[%dma_wait3A_168, %dma_wait3A_169, %dma_wait3A_170] : memref<10x1x1000xi32, #tpu.memory_space<vmem>> -> memref<1x1x1000xi32, #tpu.memory_space<vmem>>
    %dma_wait3A_172 = tpu.memref_squeeze %dma_wait3A_171 : memref<1x1x1000xi32, #tpu.memory_space<vmem>> -> memref<1000xi32, #tpu.memory_space<vmem>>
    %dma_wait3A_173 = arith.constant 0 : i32
    %dma_wait3A_174 = arith.constant 0 : i32
    %dma_wait3A_175 = tpu.memref_slice %arg7[%dma_wait3A_173, %dma_wait3A_174] : memref<10000x16xf32, #tpu.memory_space<vmem_shared>> -> memref<10000x16xf32, #tpu.memory_space<vmem_shared>>
    tpu.wait_indirect_dma semaphore(%arg8 : memref<!tpu.dma_semaphore, #tpu.memory_space<semaphore_mem>>) src(%arg5 : memref<1000x16xf32, #tpu.memory_space<vmem>>) dst(%dma_wait3A_175 : memref<10000x16xf32, #tpu.memory_space<vmem_shared>>)
    %barrier3A_176 = arith.constant 0 : index
    tpu.barrier barrier_id(%barrier3A_176)
    "tpu.region"() ({
      %run_scoped3A_182 = tpu.sem_alloc : memref<!tpu.dma_semaphore, #tpu.memory_space<semaphore_mem>>
      %dma_start3A_183 = arith.constant 0 : i32
      %dma_start3A_184 = tpu.memref_slice %arg3[%arg0, %mul3A_0, %dma_start3A_183] : memref<2x10000x16xf32, #tpu.memory_space<hbm>> -> memref<1x624x16xf32, #tpu.memory_space<hbm>>
      %dma_start3A_185 = tpu.memref_squeeze %dma_start3A_184 : memref<1x624x16xf32, #tpu.memory_space<hbm>> -> memref<624x16xf32, #tpu.memory_space<hbm>>
      %dma_start3A_186 = arith.constant 0 : i32
      %dma_start3A_187 = tpu.memref_slice %arg7[%mul3A_0, %dma_start3A_186] : memref<10000x16xf32, #tpu.memory_space<vmem_shared>> -> memref<624x16xf32, #tpu.memory_space<vmem_shared>>
      tpu.enqueue_dma source(%dma_start3A_187 : memref<624x16xf32, #tpu.memory_space<vmem_shared>>) target(%dma_start3A_185 : memref<624x16xf32, #tpu.memory_space<hbm>>) target_semaphore(%run_scoped3A_182 : memref<!tpu.dma_semaphore, #tpu.memory_space<semaphore_mem>>)
      %dma_wait3A_188 = arith.constant 0 : i32
      %dma_wait3A_189 = tpu.memref_slice %arg3[%arg0, %mul3A_0, %dma_wait3A_188] : memref<2x10000x16xf32, #tpu.memory_space<hbm>> -> memref<1x624x16xf32, #tpu.memory_space<hbm>>
      %dma_wait3A_190 = tpu.memref_squeeze %dma_wait3A_189 : memref<1x624x16xf32, #tpu.memory_space<hbm>> -> memref<624x16xf32, #tpu.memory_space<hbm>>
      %dma_wait3A_191 = arith.constant 0 : i32
      %dma_wait3A_192 = tpu.memref_slice %arg7[%mul3A_0, %dma_wait3A_191] : memref<10000x16xf32, #tpu.memory_space<vmem_shared>> -> memref<624x16xf32, #tpu.memory_space<vmem_shared>>
      tpu.wait_dma2 semaphore(%run_scoped3A_182 : memref<!tpu.dma_semaphore, #tpu.memory_space<semaphore_mem>>) src(%dma_wait3A_192 : memref<624x16xf32, #tpu.memory_space<vmem_shared>>) dst(%dma_wait3A_190 : memref<624x16xf32, #tpu.memory_space<hbm>>)
      tpu.yield
    }) : () -> ()
    %eq3A_177 = arith.constant 0 : i32
    %eq3A_178 = arith.cmpi eq, %arg1, %eq3A_177 : i32
    %convert_element_type3A_179 = arith.extui %eq3A_178 : i1 to i32
    %cond3A_180 = arith.constant 0 : i32
    %cond3A_181 = arith.cmpi ne, %convert_element_type3A_179, %cond3A_180 : i32
    scf.if %cond3A_181 {
      "tpu.region"() ({
        %run_scoped3A_182 = tpu.sem_alloc : memref<!tpu.dma_semaphore, #tpu.memory_space<semaphore_mem>>
        %dma_start3A_183 = arith.constant 9984 : i32
        %dma_start3A_184 = arith.constant 0 : i32
        %dma_start3A_185 = tpu.memref_slice %arg3[%arg0, %dma_start3A_183, %dma_start3A_184] : memref<2x10000x16xf32, #tpu.memory_space<hbm>> -> memref<1x16x16xf32, #tpu.memory_space<hbm>>
        %dma_start3A_186 = tpu.memref_squeeze %dma_start3A_185 : memref<1x16x16xf32, #tpu.memory_space<hbm>> -> memref<16x16xf32, #tpu.memory_space<hbm>>
        %dma_start3A_187 = arith.constant 9984 : i32
        %dma_start3A_188 = arith.constant 0 : i32
        %dma_start3A_189 = tpu.memref_slice %arg7[%dma_start3A_187, %dma_start3A_188] : memref<10000x16xf32, #tpu.memory_space<vmem_shared>> -> memref<16x16xf32, #tpu.memory_space<vmem_shared>>
        tpu.enqueue_dma source(%dma_start3A_189 : memref<16x16xf32, #tpu.memory_space<vmem_shared>>) target(%dma_start3A_186 : memref<16x16xf32, #tpu.memory_space<hbm>>) target_semaphore(%run_scoped3A_182 : memref<!tpu.dma_semaphore, #tpu.memory_space<semaphore_mem>>)
        %dma_wait3A_190 = arith.constant 9984 : i32
        %dma_wait3A_191 = arith.constant 0 : i32
        %dma_wait3A_192 = tpu.memref_slice %arg3[%arg0, %dma_wait3A_190, %dma_wait3A_191] : memref<2x10000x16xf32, #tpu.memory_space<hbm>> -> memref<1x16x16xf32, #tpu.memory_space<hbm>>
        %dma_wait3A_193 = tpu.memref_squeeze %dma_wait3A_192 : memref<1x16x16xf32, #tpu.memory_space<hbm>> -> memref<16x16xf32, #tpu.memory_space<hbm>>
        %dma_wait3A_194 = arith.constant 9984 : i32
        %dma_wait3A_195 = arith.constant 0 : i32
        %dma_wait3A_196 = tpu.memref_slice %arg7[%dma_wait3A_194, %dma_wait3A_195] : memref<10000x16xf32, #tpu.memory_space<vmem_shared>> -> memref<16x16xf32, #tpu.memory_space<vmem_shared>>
        tpu.wait_dma2 semaphore(%run_scoped3A_182 : memref<!tpu.dma_semaphore, #tpu.memory_space<semaphore_mem>>) src(%dma_wait3A_196 : memref<16x16xf32, #tpu.memory_space<vmem_shared>>) dst(%dma_wait3A_193 : memref<16x16xf32, #tpu.memory_space<hbm>>)
        tpu.yield
      }) : () -> ()
    } else {
    }
    return
  }
}

module attributes {stable_mosaic.version = 14 : i64} {
  func.func @_matmul_body(%arg0: i32, %arg1: i32, %arg2: memref<2000x128xf32, #tpu.memory_space<vmem>>, %arg3: memref<1x128x64xf32, #tpu.memory_space<vmem>>, %arg4: memref<2x2000x16xf32, #tpu.memory_space<vmem>>, %arg5: memref<1x2000x64xbf16, #tpu.memory_space<vmem>>) attributes {dimension_semantics = [#tpu.dimension_semantics<arbitrary>, #tpu.dimension_semantics<arbitrary>], iteration_bounds = array<i64: 2, 5>, scalar_prefetch = 0 : i64, scratch_operands = 0 : i64, tpu.core_type = #tpu.core_type<tc>, window_params = [{transform_indices = @transform_0, window_bounds = array<i64: 2000, 128>}, {transform_indices = @transform_1, window_bounds = array<i64: 1, 128, 64>}, {transform_indices = @transform_2, window_bounds = array<i64: 2, 2000, 16>}, {transform_indices = @transform_3, window_bounds = array<i64: 1, 2000, 64>}]} {
    %get3A = arith.constant 0 : index
    %get3A_0 = arith.constant 0 : index
    %get3A_1 = vector.load %arg2[%get3A, %get3A_0] : memref<2000x128xf32, #tpu.memory_space<vmem>>, vector<2000x128xf32>
    %get3A_2 = arith.constant 0 : index
    %get3A_3 = arith.constant 0 : index
    %get3A_4 = arith.constant 0 : index
    %get3A_5 = vector.load %arg3[%get3A_2, %get3A_3, %get3A_4] : memref<1x128x64xf32, #tpu.memory_space<vmem>>, vector<1x128x64xf32>
    %get3A_6 = vector.shape_cast %get3A_5 : vector<1x128x64xf32> to vector<128x64xf32>
    %dot_general3A = arith.constant dense<0.000000e+00> : vector<2000x64xf32>
    %dot_general3A_7 = tpu.matmul %get3A_1, %get3A_6, %dot_general3A {dimension_numbers = #tpu.dot_dimension_numbers<[1], [0], [0], [1], [0, 0, 1, 1], [], []>, transpose_lhs_hint = false} : vector<2000x128xf32>, vector<128x64xf32>, vector<2000x64xf32> -> vector<2000x64xf32>
    %get3A_8 = arith.constant 0 : index
    %get3A_9 = arith.constant 0 : index
    %get3A_10 = arith.constant 0 : index
    %get3A_11 = vector.load %arg4[%get3A_8, %get3A_9, %get3A_10] : memref<2x2000x16xf32, #tpu.memory_space<vmem>>, vector<2x2000x16xf32>
    %slice3A = vector.extract_strided_slice %get3A_11 {offsets = [0, 0, 0], sizes = [1, 2000, 1], strides = [1, 1, 1]} : vector<2x2000x16xf32> to vector<1x2000x1xf32>
    %squeeze3A = vector.shape_cast %slice3A : vector<1x2000x1xf32> to vector<2000x1xf32>
    %slice3A_12 = vector.extract_strided_slice %get3A_11 {offsets = [1, 0, 0], sizes = [1, 2000, 1], strides = [1, 1, 1]} : vector<2x2000x16xf32> to vector<1x2000x1xf32>
    %squeeze3A_13 = vector.shape_cast %slice3A_12 : vector<1x2000x1xf32> to vector<2000x1xf32>
    %add3A = arith.addf %squeeze3A, %squeeze3A_13 : vector<2000x1xf32>
    %add3A_14 = arith.constant 1.000000e+00 : f32
    %add3A_15 = vector.broadcast %add3A_14 : f32 to vector<2000x1xf32>
    %add3A_16 = arith.addf %add3A, %add3A_15 : vector<2000x1xf32>
    %rsqrt3A = math.rsqrt %add3A_16 : vector<2000x1xf32>
    %mul3A = vector.broadcast %rsqrt3A : vector<2000x1xf32> to vector<2000x64xf32>
    %mul3A_17 = arith.mulf %dot_general3A_7, %mul3A : vector<2000x64xf32>
    %broadcast_in_dim3A = vector.shape_cast %mul3A_17 : vector<2000x64xf32> to vector<1x2000x64xf32>
    %convert_element_type3A = arith.truncf %broadcast_in_dim3A : vector<1x2000x64xf32> to vector<1x2000x64xbf16>
    %swap3A = arith.constant 0 : index
    %swap3A_18 = arith.constant 0 : index
    %swap3A_19 = arith.constant 0 : index
    %swap3A_20 = vector.load %arg5[%swap3A, %swap3A_18, %swap3A_19] : memref<1x2000x64xbf16, #tpu.memory_space<vmem>>, vector<1x2000x64xbf16>
    tpu.vector_store %arg5[%swap3A, %swap3A_18, %swap3A_19], %convert_element_type3A {strides = array<i32>} : memref<1x2000x64xbf16, #tpu.memory_space<vmem>>, vector<1x2000x64xbf16>,
    return
  }
  func.func @transform_0(%arg0: i32, %arg1: i32) -> (i32, i32) {
    %c0_i32 = arith.constant 0 : i32
    %c0_i32_0 = arith.constant 0 : i32
    return %arg1, %c0_i32 : i32, i32
  }
  func.func @transform_1(%arg0: i32, %arg1: i32) -> (i32, i32, i32) {
    %c0_i32 = arith.constant 0 : i32
    %c0_i32_0 = arith.constant 0 : i32
    %c0_i32_1 = arith.constant 0 : i32
    return %arg0, %c0_i32, %c0_i32_0 : i32, i32, i32
  }
  func.func @transform_2(%arg0: i32, %arg1: i32) -> (i32, i32, i32) {
    %c0_i32 = arith.constant 0 : i32
    %c0_i32_0 = arith.constant 0 : i32
    %c0_i32_1 = arith.constant 0 : i32
    return %c0_i32, %arg1, %c0_i32_0 : i32, i32, i32
  }
  func.func @transform_3(%arg0: i32, %arg1: i32) -> (i32, i32, i32) {
    %c0_i32 = arith.constant 0 : i32
    %c0_i32_0 = arith.constant 0 : i32
    return %arg0, %arg1, %c0_i32 : i32, i32, i32
  }
}

module attributes {stable_mosaic.version = 14 : i64} {
  func.func @_finish_body(%arg0: i32, %arg1: memref<2x2000x64xbf16, #tpu.memory_space<vmem>>, %arg2: memref<2x2000x16xf32, #tpu.memory_space<vmem>>, %arg3: memref<128xf32, #tpu.memory_space<vmem>>, %arg4: memref<128xf32, #tpu.memory_space<vmem>>, %arg5: memref<2000x128xf32, #tpu.memory_space<vmem>>) attributes {dimension_semantics = [#tpu.dimension_semantics<arbitrary>], iteration_bounds = array<i64: 5>, scalar_prefetch = 0 : i64, scratch_operands = 0 : i64, tpu.core_type = #tpu.core_type<tc>, window_params = [{transform_indices = @transform_0, window_bounds = array<i64: 2, 2000, 64>}, {transform_indices = @transform_1, window_bounds = array<i64: 2, 2000, 16>}, {pipeline_mode = #tpu.pipeline_mode<synchronous>, transform_indices = @transform_2, window_bounds = array<i64: 128>}, {pipeline_mode = #tpu.pipeline_mode<synchronous>, transform_indices = @transform_3, window_bounds = array<i64: 128>}, {transform_indices = @transform_4, window_bounds = array<i64: 2000, 128>}]} {
    %get3A = arith.constant 0 : index
    %get3A_0 = arith.constant 0 : index
    %get3A_1 = arith.constant 0 : index
    %get3A_2 = vector.load %arg2[%get3A, %get3A_0, %get3A_1] : memref<2x2000x16xf32, #tpu.memory_space<vmem>>, vector<2x2000x16xf32>
    %slice3A = vector.extract_strided_slice %get3A_2 {offsets = [0, 0, 0], sizes = [1, 2000, 1], strides = [1, 1, 1]} : vector<2x2000x16xf32> to vector<1x2000x1xf32>
    %squeeze3A = vector.shape_cast %slice3A : vector<1x2000x1xf32> to vector<2000x1xf32>
    %slice3A_3 = vector.extract_strided_slice %get3A_2 {offsets = [1, 0, 0], sizes = [1, 2000, 1], strides = [1, 1, 1]} : vector<2x2000x16xf32> to vector<1x2000x1xf32>
    %squeeze3A_4 = vector.shape_cast %slice3A_3 : vector<1x2000x1xf32> to vector<2000x1xf32>
    %add3A = arith.addf %squeeze3A, %squeeze3A_4 : vector<2000x1xf32>
    %add3A_5 = arith.constant 1.000000e+00 : f32
    %add3A_6 = vector.broadcast %add3A_5 : f32 to vector<2000x1xf32>
    %add3A_7 = arith.addf %add3A, %add3A_6 : vector<2000x1xf32>
    %rsqrt3A = math.rsqrt %add3A_7 : vector<2000x1xf32>
    %get3A_8 = arith.constant 0 : index
    %get3A_9 = arith.constant 0 : index
    %get3A_10 = arith.constant 0 : index
    %get3A_11 = vector.load %arg1[%get3A_8, %get3A_9, %get3A_10] : memref<2x2000x64xbf16, #tpu.memory_space<vmem>>, vector<1x2000x64xbf16>
    %get3A_12 = vector.shape_cast %get3A_11 : vector<1x2000x64xbf16> to vector<2000x64xbf16>
    %get3A_13 = arith.constant 1 : index
    %get3A_14 = arith.constant 0 : index
    %get3A_15 = arith.constant 0 : index
    %get3A_16 = vector.load %arg1[%get3A_13, %get3A_14, %get3A_15] : memref<2x2000x64xbf16, #tpu.memory_space<vmem>>, vector<1x2000x64xbf16>
    %get3A_17 = vector.shape_cast %get3A_16 : vector<1x2000x64xbf16> to vector<2000x64xbf16>
    %concatenate3A = tpu.concatenate %get3A_12, %get3A_17 in 1 : vector<2000x64xbf16>, vector<2000x64xbf16> -> vector<2000x128xbf16>
    %convert_element_type3A = arith.extf %concatenate3A : vector<2000x128xbf16> to vector<2000x128xf32>
    %mul3A = vector.broadcast %rsqrt3A : vector<2000x1xf32> to vector<2000x128xf32>
    %mul3A_18 = arith.mulf %convert_element_type3A, %mul3A : vector<2000x128xf32>
    %get3A_19 = arith.constant 0 : index
    %get3A_20 = vector.load %arg3[%get3A_19] : memref<128xf32, #tpu.memory_space<vmem>>, vector<128xf32>
    %broadcast_in_dim3A = vector.shape_cast %get3A_20 : vector<128xf32> to vector<1x128xf32>
    %add3A_21 = vector.broadcast %broadcast_in_dim3A : vector<1x128xf32> to vector<2000x128xf32>
    %add3A_22 = arith.addf %mul3A_18, %add3A_21 : vector<2000x128xf32>
    %ge3A = arith.constant 0.000000e+00 : f32
    %ge3A_23 = vector.broadcast %ge3A : f32 to vector<2000x128xf32>
    %ge3A_24 = arith.cmpf oge, %add3A_22, %ge3A_23 : vector<2000x128xf32>
    %get3A_25 = arith.constant 0 : index
    %get3A_26 = vector.load %arg4[%get3A_25] : memref<128xf32, #tpu.memory_space<vmem>>, vector<128xf32>
    %broadcast_in_dim3A_27 = vector.shape_cast %get3A_26 : vector<128xf32> to vector<1x128xf32>
    %mul3A_28 = vector.broadcast %broadcast_in_dim3A_27 : vector<1x128xf32> to vector<2000x128xf32>
    %mul3A_29 = arith.mulf %mul3A_28, %add3A_22 : vector<2000x128xf32>
    %select_n3A = arith.select %ge3A_24, %add3A_22, %mul3A_29 : vector<2000x128xi1>, vector<2000x128xf32>
    %swap3A = arith.constant 0 : index
    %swap3A_30 = arith.constant 0 : index
    %swap3A_31 = vector.load %arg5[%swap3A, %swap3A_30] : memref<2000x128xf32, #tpu.memory_space<vmem>>, vector<2000x128xf32>
    tpu.vector_store %arg5[%swap3A, %swap3A_30], %select_n3A {strides = array<i32>} : memref<2000x128xf32, #tpu.memory_space<vmem>>, vector<2000x128xf32>,
    return
  }
  func.func @transform_0(%arg0: i32) -> (i32, i32, i32) {
    %c0_i32 = arith.constant 0 : i32
    %c0_i32_0 = arith.constant 0 : i32
    %c0_i32_1 = arith.constant 0 : i32
    return %c0_i32, %arg0, %c0_i32_0 : i32, i32, i32
  }
  func.func @transform_1(%arg0: i32) -> (i32, i32, i32) {
    %c0_i32 = arith.constant 0 : i32
    %c0_i32_0 = arith.constant 0 : i32
    %c0_i32_1 = arith.constant 0 : i32
    return %c0_i32, %arg0, %c0_i32_0 : i32, i32, i32
  }
  func.func @transform_2(%arg0: i32) -> i32 {
    %c0_i32 = arith.constant 0 : i32
    %c0_i32_0 = arith.constant 0 : i32
    return %c0_i32 : i32
  }
  func.func @transform_3(%arg0: i32) -> i32 {
    %c0_i32 = arith.constant 0 : i32
    %c0_i32_0 = arith.constant 0 : i32
    return %c0_i32 : i32
  }
  func.func @transform_4(%arg0: i32) -> (i32, i32) {
    %c0_i32 = arith.constant 0 : i32
    %c0_i32_0 = arith.constant 0 : i32
    return %arg0, %c0_i32 : i32, i32
  }
}

</mosaic_0001>

<sc_bundles>
// kernel: kernel.6.cloned.1.call-start
scs
__scs_entry_jumppad:
0x0: {  	(pc) =	sbr.rel $0x88, $3  }
0x1: {  	(tag) =	ssettag $0x0;
	lr =	simm.s32 $0x1  }
0x2: {  	[smem:$0x3F9C] =	sst lr;
	_ =	strace $0xD0000000  }
0x3: {  	_ = 	snop  }
0x4: {  	_ = 	snop  }
0x5: {  	_ = 	snop  }
0x6: {  	_ = 	snop  }
0x7: {  	_ = 	snop  }
__scs_overlays_trampoline_lowered:
0x8: {  	[smem:$0x3FAB] =	sst s0  }
0x9: {  	[smem:$0x3FAC] =	sst s1  }
0xa: {  	[smem:$0x3FAD] =	sst s2  }
0xb: {  	[smem:$0x3FAE] =	sst s3  }
0xc: {  	[smem:$0x3FAF] =	sst s4  }
0xd: {  	[smem:$0x3FB0] =	sst s5  }
0xe: {  	[smem:$0x3FB1] =	sst s6  }
0xf: {  	[smem:$0x3FB2] =	sst s7  }
0x10: {  	[smem:$0x3FB3] =	sst s8  }
0x11: {  	[smem:$0x3FB4] =	sst s9;
	s0 =	simm.s32 @!p0 $0x0  }
0x12: {  	s1 =	sld [smem:$0x3F9A];
	s0 =	simm.s32 @p0 $0x1  }
0x13: {  	[smem:$0x3FB5] =	sst s0;
	s0 =	simm.s32 @!p1 $0x0  }
0x14: {  	s2 =	sld [smem:$0x3F99];
	s0 =	simm.s32 @p1 $0x1  }
0x15: {  	[smem:$0x3FB6] =	sst s0;
	s0 =	simm.s32 @!p2 $0x0  }
0x16: {  	s3 =	sld [smem:$0x3FDB];
	s0 =	simm.s32 @p2 $0x1  }
0x17: {  	s4 =	simm.s32 $0x1BF5;
	[smem:$0x3FB8] =	sst s0  }
0x18: {  	s0 =	sld [smem:$0x3F9B];
	_ =	swait.ge [sflag:s4], $0x0  }
0x19: {  	s7 =	sld [smem:$0x3F9C]  }
0x1a: {  	s8 =	sadd.s32 $0xFFFFE003, lr  }
0x1b: {  	s9 =	sadd.s32 $0xFFFFFEF7, lr;
	s5 =	simm.s32 $0xFFFFFFFF;
	p2 =	slt.u32 s8, $0xFFFFF086  }
0x1c: {  	p1 =	slt.u32 s9, $0xF7A;
	s5 =	simm.s32 @!p2 $0x0  }
0x1d: {  	s5 =	simm.s32 @p1 $0x1;
	p0 =	seq.s32 s7, s2  }
0x1e: {  	s7 =	smul.u32 @!p0 $0xF7A, s2;
	p2 =	seq.s32 @!p0 s5, $0x0  }
0x1f: {  	s9 =	smul.u32 $0xF7A, s1;
	s8 =	simm.s32 @!p0 $0x1BF5;
	p2 =	por !p2, p0  }
0x20: {  	[sflag:s8] =	ssyncset.s32 @!p0 $0xFFFFF086;
	s6 =	sadd.s32 @!p0 s3, s7;
	s7 =	simm.s32 @!p0 $0x108  }
0x21: {  	s3 =	sadd.s32 s3, s9;
	s6 =	sadd.s32 @!p0 $0x88, s6;
	s7 =	simm.s32 @p2 $0x1082  }
0x22: {  	[simem:s7], [sflag:s8] =	dma.local @!p0 [hbm:s6], $0xF7A  }
0x23: {  	s9 =	sor.u32 $0xD0000000, s2;
	s6 =	simm.s32 $0x108;
	_ =	swait.ge @!p0 [sflag:s8], $0x0  }
0x24: {  	s3 =	sadd.s32 $0x88, s3;
	s6 =	simm.s32 @!p1 $0x1082;
	[sflag:s4] =	ssyncset.s32 $0xFFFFF086  }
0x25: {  	[simem:s6], [sflag:s4] =	dma.local [hbm:s3], $0xF7A  }
0x26: {  	[smem:$0x3F9C] =	sst s1;
	(tag) =	ssettag s2;
	_ =	strace s9  }
0x27: {  	s1 =	sld [smem:$0x3FAC]  }
0x28: {  	s2 =	sld [smem:$0x3FAD]  }
0x29: {  	s4 =	sld [smem:$0x3FAF]  }
0x2a: {  	p0 =	seq.s32 s5, $0x0;
	s5 =	sld [smem:$0x3FB0]  }
0x2b: {  	s6 =	sld [smem:$0x3FB1]  }
0x2c: {  	s7 =	sld [smem:$0x3FB2]  }
0x2d: {  	s3 =	simm.s32 $0x108;
	s8 =	sld [smem:$0x3FB3]  }
0x2e: {  	s3 =	simm.s32 @!p0 $0x1082;
	s9 =	sld [smem:$0x3FB4]  }
0x2f: {  	lr =	sadd.s32 s0, s3;
	s0 =	sld [smem:$0x3FAB]  }
0x30: {  	s3 =	sld [smem:$0x3FAE]  }
0x31: {  	[smem:$0x3FB7] =	sst s10  }
0x32: {  	s10 =	sld [smem:$0x3FB5];
	_ =	sdelay $0x3  }
0x33: {  	p0 =	seq.s32 s10, $0x1;
	s10 =	sld [smem:$0x3FB7];
	_ =	sdelay $0x3  }
0x34: {  	[smem:$0x3FB7] =	sst s10  }
0x35: {  	s10 =	sld [smem:$0x3FB6];
	_ =	sdelay $0x3  }
0x36: {  	p1 =	seq.s32 s10, $0x1;
	s10 =	sld [smem:$0x3FB7];
	_ =	sdelay $0x3  }
0x37: {  	[smem:$0x3FB7] =	sst s10  }
0x38: {  	s10 =	sld [smem:$0x3FB8]  }
0x39: {  	_ = 	snop;
	(pc) =	sbr.ind lr, $3  }
0x3a: {  	_ = 	snop  }
0x3b: {  	_ = 	snop  }
0x3c: {  	p2 =	seq.s32 s10, $0x1;
	s10 =	sld [smem:$0x3FB7]  }
0x3d: {  	_ =	shalt  }
0x3e: {  	_ =	shalt  }
0x3f: {  	_ =	shalt  }
0x40: {  	_ =	shalt  }
0x41: {  	_ =	shalt  }
0x42: {  	_ =	shalt  }
0x43: {  	_ =	shalt  }
0x44: {  	_ =	shalt  }
0x45: {  	_ =	shalt  }
0x46: {  	_ =	shalt  }
0x47: {  	_ =	shalt  }
0x48: {  	_ =	shalt  }
0x49: {  	_ =	shalt  }
0x4a: {  	_ =	shalt  }
0x4b: {  	_ =	shalt  }
0x4c: {  	_ =	shalt  }
0x4d: {  	_ =	shalt  }
0x4e: {  	_ =	shalt  }
0x4f: {  	_ =	shalt  }
0x50: {  	_ =	shalt  }
0x51: {  	_ =	shalt  }
0x52: {  	_ =	shalt  }
0x53: {  	_ =	shalt  }
0x54: {  	_ =	shalt  }
0x55: {  	_ =	shalt  }
0x56: {  	_ =	shalt  }
0x57: {  	_ =	shalt  }
0x58: {  	_ =	shalt  }
0x59: {  	_ =	shalt  }
0x5a: {  	_ =	shalt  }
0x5b: {  	_ =	shalt  }
0x5c: {  	_ =	shalt  }
0x5d: {  	_ =	shalt  }
0x5e: {  	_ =	shalt  }
0x5f: {  	_ =	shalt  }
0x60: {  	_ =	shalt  }
0x61: {  	_ =	shalt  }
0x62: {  	_ =	shalt  }
0x63: {  	_ =	shalt  }
0x64: {  	_ =	shalt  }
0x65: {  	_ =	shalt  }
0x66: {  	_ =	shalt  }
0x67: {  	_ =	shalt  }
0x68: {  	_ =	shalt  }
0x69: {  	_ =	shalt  }
0x6a: {  	_ =	shalt  }
0x6b: {  	_ =	shalt  }
0x6c: {  	_ =	shalt  }
0x6d: {  	_ =	shalt  }
0x6e: {  	_ =	shalt  }
0x6f: {  	_ =	shalt  }
0x70: {  	_ =	shalt  }
0x71: {  	_ =	shalt  }
0x72: {  	_ =	shalt  }
0x73: {  	_ =	shalt  }
0x74: {  	_ =	shalt  }
0x75: {  	_ =	shalt  }
0x76: {  	_ =	shalt  }
0x77: {  	_ =	shalt  }
0x78: {  	_ =	shalt  }
0x79: {  	_ =	shalt  }
0x7a: {  	_ =	shalt  }
0x7b: {  	_ =	shalt  }
0x7c: {  	_ =	shalt  }
0x7d: {  	_ =	shalt  }
0x7e: {  	_ =	shalt  }
0x7f: {  	_ =	shalt  }
0x80: {  	_ =	shalt  }
0x81: {  	_ =	shalt  }
0x82: {  	_ =	shalt  }
0x83: {  	_ =	shalt  }
0x84: {  	_ =	shalt  }
0x85: {  	_ =	shalt  }
0x86: {  	_ =	shalt  }
0x87: {  	_ =	shalt  }
.Lfunc_end0:
.L_simem_size_0:
called_computation_lowered:
.L_overlay_start_0:
0x88: {  	s2 =	sld [smem:$0x3FD9]  }
0x89: {  	s3 =	sld [smem:$0x3FFE];
	_ =	sdelay $0x1  }
0x8a: {  	s1 =	srdreg.scid  }
0x8b: {  	s0 =	sand.u32 $0x1, s1  }
0x8c: {  	s17 =	sshll.u32 s0, $0xA;
	s2 =	sadd.s32 s3, s2  }
0x8d: {  	s2 =	sadd.s32 s2, s17  }
0x8e: {  	[smem:$0x3FC3] =	sst s2  }
0x8f: {  	_ = 	snop  }
0x90: {  	s2 =	sld [smem:$0x3FD0];
	(tm) =	ssettm $0x1  }
0x91: {  	s18 =	sld [smem:$0x3FFB];
	_ =	sdelay $0x3  }
0x92: {  	_ =	strace s18  }
0x93: {  	s3 =	sld [smem:$0x3FFC];
	_ =	sdelay $0x3  }
0x94: {  	_ =	strace s3  }
0x95: {  	s3 =	sld [smem:$0x3FFD];
	_ =	sdelay $0x3  }
0x96: {  	_ =	strace s3  }
0x97: {  	_ =	strace $0x8FFFFFFF  }
0x98: {  	s19 =	sld [smem:$0x3FDB];
	_ =	sdelay $0x1  }
0x99: {  	s4 =	simm.s32 $_scs_section_size  }
0x9a: {  	s5 =	simm.s32 $_size__tile_overlayer_lowered;
	s6 =	simm.s32 $_tile_overlayer_lowered  }
0x9b: {  	s22 =	simm.s32 $0x1BFF;
	s21 =	sshll.u32 s6, $0x1;
	s3 =	sadd.s32 s4, s19  }
0x9c: {  	s7 =	simm.s32 $0x0;
	s20 =	sshll.u32 s5, $0x1;
	s5 =	sadd.s32 s21, s3  }
0x9d: {  	[timem:s7], [sflag:s22] =	dma.local [hbm:s5], s20  }
0x9e: {  	_ =	swait.ge [sflag:s22], s20  }
0x9f: {  	s4 =	ssub.s32 $0x0, s20;
	[sflag:s22] =	ssyncset.done $0x0  }
0xa0: {  	[sflag:s22] =	ssyncadd.s32 s4;
	_ =	sdelay $0x1  }
0xa1: {  	s23 =	simm.s32 $0x1B8B  }
0xa2: {  	_ =	swait.ge [sflag:s23], $0x1  }
0xa3: {  	[sflag:s23] =	ssyncset.done $0x0  }
0xa4: {  	s25 =	simm.s32 $0x1B8E;
	s24 =	sld [smem:$0x3FFE];
	[sflag:s23] =	ssyncadd.s32 $0xFFFFFFFF  }
0xa5: {  	s26 =	simm.s32 $execute0_lowered;
	[smem:$0x3FD2] =	sst s25  }
0xa6: {  	s5 =	sshll.u32 s26, $0x1;
	_ =	strace $0x80000046;
	[dreg:$0x1] =	wrdreg $0xFFFFFFFF  }
0xa7: {  	s28 =	simm.s32 $_size_execute0_lowered;
	s3 =	sadd.s32 s3, s5;
	[dreg:$0x0] =	wrdreg $0x0  }
0xa8: {  	s5 =	sshll.u32 s28, $0x1;
	[dreg:$0x2] =	wrdreg s3  }
0xa9: {  	[dreg:$0x3] =	wrdreg s5  }
0xaa: {  	[dreg:$0x4] =	wrdreg $0xC0  }
0xab: {  	_ =	task [dreg:s7], $0x5FFFF  }
0xac: {  	[dreg:$0x1] =	wrdreg $0xFFFFFFFF  }
0xad: {  	[dreg:$0x0] =	wrdreg $0x60  }
0xae: {  	[dreg:$0x2] =	wrdreg s2  }
0xaf: {  	[dreg:$0x3] =	wrdreg s24  }
0xb0: {  	[dreg:$0x4] =	wrdreg $0x8C900  }
0xb1: {  	[dreg:$0x5] =	wrdreg $0x9  }
0xb2: {  	_ =	task.clear_ibuf [dreg:s7], $0x6FFFF;
	_ =	strace $0x90000046  }
0xb3: {  	s29 =	simm.s32 $0x9;
	_ =	strace $0x80000048  }
0xb4: {  	_ =	swait.ge [sflag:s29], $0x1  }
0xb5: {  	[sflag:s29] =	ssyncadd.s32 $0xFFFFFFFF  }
0xb6: {  	_ =	strace $0x90000048  }
0xb7: {  	_ =	sfence  }
0xb8: {  	s30 =	sld [smem:$0x0];
	_ =	sdelay $0x2  }
0xb9: {  	s31 =	sshll.u32 s1, $0xD;
	s1 =	sshrl.u32 s1, $0x2  }
0xba: {  	s3 =	sand.u32 $0x4000, s31;
	s1 =	sadd.s32 s1, s30  }
0xbb: {  	s0 =	sor.u32 s3, s0;
	s1 =	sshll.u32 s1, $0x11  }
0xbc: {  	s0 =	sor.u32 s1, s0  }
0xbd: {  	s0 =	sadd.s32 $0x8F2B, s0  }
0xbe: {  	[sflag:s0] =	ssyncadd.remote.s32 $0x1  }
0xbf: {  	_ =	sfence.sel $0xFFFF  }
0xc0: {  	[dreg:$0x0] =	wrdreg $0xFFFFFFFF;
	(pc) =	sbr.abs _section_cstart, $3  }
0xc1: {  	[dreg:$0x1] =	wrdreg $0xFFFFFFFF  }
0xc2: {  	_ =	task.clear_ibuf [dreg:s7], $0x2FFFF;
	_ =	strace $0x9FFFFFFF  }
0xc3: {  	(tm) =	ssettm $0x7FFFFFFF  }
tec
execute0_lowered:
.L_overlay_start_1:
0x0: {  	(tag) =	ssettag $0x1  }
0x1: {  	s6 =	rddreg [dreg:$0x0]  }
0x2: {  	s4 =	rddreg [dreg:$0x1]  }
0x3: {  	s1 =	rddreg [dreg:$0x2]  }
0x4: {  	s0 =	rddreg [dreg:$0x3];
	s2 =	stileid.u32  }
0x5: {  	s3 =	simm.s32 $0x0;
	s5 =	srdreg.scid;
	s13 =	simm.s32 $0x2700  }
0x6: {  	s14 =	simm.s32 $0x6968;
	s15 =	simm.s32 $0x6D50;
	s16 =	simm.s32 $0x7138  }
0x7: {  	s17 =	simm.s32 $0x7520;
	s18 =	simm.s32 $0x1;
	s19 =	simm.s32 $0x7908  }
0x8: {  	s20 =	simm.s32 $0x7CF0;
	s21 =	simm.s32 $0x80D8;
	s22 =	simm.s32 $0x84C0  }
0x9: {  	s23 =	simm.s32 $0x88A8;
	s24 =	simm.s32 $0x0;
	s7 =	smul.u32 $0x2700, s2  }
0xa: {  	[smem:$0x7FF] =	sst s3;
	s5 =	sand.u32 $0x1, s5;
	s8 =	smul.u32 $0x4E20, s2  }
0xb: {  	s11 =	sadd.s32 $0x1600, s4;
	p0 =	sne.s32 s2, $0x0;
	s10 =	smul.u32 $0x2710, s5  }
0xc: {  	_ =	strace $0x80000047;
	s9 =	ssub.s32 $0x2, s5;
	s12 =	smul.u32 $0x27100, s5  }
0xd: {  	s5 =	sadd.s32 $0x27000, s1;
	s30 =	sshrl.u32 s9, $0x1;
	s4 =	sadd.s32 s7, s1  }
0xe: {  	s9 =	ssub.s32 s9, s30;
	s8 =	sadd.s32 s8, s10;
	s7 =	sadd.s32 s7, s12  }
0xf: {  	s31 =	sshrl.u32 s12, $0x3;
	s10 =	simm.s32 $0x2;
	s12 =	simm.s32 $0x3E8  }
0x10: {  	s8 =	sshrl.u32 s8, $0x3;
	s7 =	sshrl.u32 s7, $0x3;
	s9 =	smax.u32 s9, $0x1  }
0x11: {  	s6 =	sadd.s32 s6, s8;
	s7 =	sadd.s32 s11, s7;
	s8 =	sadd.s32 s11, s31  }
0x12: {  	v0 =	vimm.f32 $0.0e+00;
	v1 =	vimm.f32 $1.000000000e+00;
	s11 =	simm.s32 $0x6580;
	s6 =	sadd.s32 $0x9C40, s6;
	s8 =	sadd.s32 $0x4E00, s8  }
.LBB2_1:
0x13: {  	s25 =	simm.s32 $0x0  }
.LBB2_2:
0x14: {  	p1 =	sne.s32 s25, $0x9BC0  }
.Ltmp0:
0x15: {  	_ = 	snop;
	(pc) =	sbr.rel @p1 .LBB2_2-.Ltmp0, $3  }
0x16: {  	_ =	sdelay $0x1  }
0x17: {  	s26 =	sshra.s32 s25, $0x2  }
0x18: {  	s25 =	sadd.s32 $0x40, s25;
	[tilespmem:s26+$0x0] =	vst v0  }
0x19: {  	s25 =	simm.s32 $0x40;
	s26 =	simm.s32 $0x0  }
.LBB2_4:
0x1a: {  	p1 =	sne.s32 s25, $0xF9C0;
	[tilespmem:s26+$0x2700] =	vst v1;
	s26 =	smov.u32 s25;
	s25 =	sadd.s32 $0x40, s25  }
.Ltmp1:
0x1b: {  	(pc) =	sbr.rel @p1 .LBB2_4-.Ltmp1, $2  }
0x1c: {  	_ =	sdelay $0x2  }
0x1d: {  	s26 =	sshra.s32 s26, $0x2  }
0x1e: {  	[tilespmem:s26+$0x2700] =	vst v1  }
0x1f: {  	[spmem:s4] =	stream.linear.scatter [tilespmem:s3], [sflag:$0x2], $0x2700, $0x38;
	[tilespmem:$0xB3A0] =	vst v63  }
0x20: {  	_ =	swait.ge [sflag:s10], $0x2700  }
0x21: {  	[sflag:s10] =	ssyncset.done $0x0  }
0x22: {  	s25 =	simm.s32 @!p0 $0x0;
	[sflag:s10] =	ssyncadd.s32 $0xFFFFD900  }
0x23: {  	[spmem:s5] =	stream.linear.scatter @!p0 [tilespmem:s25], [sflag:$0x2], $0x100, $0x38;
	[tilespmem:$0xB3A0] =	vst v63  }
0x24: {  	s25 =	simm.s32 @!p0 $0x2  }
0x25: {  	_ =	swait.ge @!p0 [sflag:s25], $0x100  }
0x26: {  	[sflag:s25] =	ssyncset.done @!p0 $0x0  }
0x27: {  	[sflag:s25] =	ssyncadd.s32 @!p0 $0xFFFFFF00  }
0x28: {  	[tilespmem:s11], [sflag:$0x2] =	stream.linear.gather [hbm4b:s6+s3], $0x2710, $0x38;
	[tilespmem:$0xB3A0] =	vst v63  }
0x29: {  	_ =	swait.ge [sflag:s10], $0x2710  }
0x2a: {  	[sflag:s10] =	ssyncset.done $0x0  }
0x2b: {  	[sflag:s10] =	ssyncadd.s32 $0xFFFFD8F0  }
0x2c: {  	[bflag:$0x0] =	sbarrier.arrive $0xFFFF  }
0x2d: {  	[spmem:s1] =	stream.indirect.scatter.add.f32 [tilespmem:s13], [sflag:$0x1], $0x10, s11, s12, $0xb8;
	[tilespmem:$0xB3A0] =	vst v63  }
0x2e: {  	_ = 	snop  }
0x2f: {  	[spmem:s1] =	stream.indirect.scatter.add.f32 [tilespmem:s13], [sflag:$0x1], $0x10, s14, s12, $0xb8;
	[tilespmem:$0xB3A0] =	vst v63  }
0x30: {  	_ = 	snop  }
0x31: {  	[spmem:s1] =	stream.indirect.scatter.add.f32 [tilespmem:s13], [sflag:$0x1], $0x10, s15, s12, $0xb8;
	[tilespmem:$0xB3A0] =	vst v63  }
0x32: {  	_ = 	snop  }
0x33: {  	[spmem:s1] =	stream.indirect.scatter.add.f32 [tilespmem:s13], [sflag:$0x1], $0x10, s16, s12, $0xb8;
	[tilespmem:$0xB3A0] =	vst v63  }
0x34: {  	_ = 	snop  }
0x35: {  	[spmem:s1] =	stream.indirect.scatter.add.f32 [tilespmem:s13], [sflag:$0x1], $0x10, s17, s12, $0xb8;
	[tilespmem:$0xB3A0] =	vst v63  }
0x36: {  	_ =	swait.ge [sflag:s18], $0x3E80  }
0x37: {  	[sflag:s18] =	ssyncset.done $0x0  }
0x38: {  	[sflag:s18] =	ssyncadd.s32 $0xFFFFC180  }
0x39: {  	_ =	swait.ge [sflag:s18], $0x3E80  }
0x3a: {  	[sflag:s18] =	ssyncset.done $0x0  }
0x3b: {  	[sflag:s18] =	ssyncadd.s32 $0xFFFFC180  }
0x3c: {  	_ =	swait.ge [sflag:s18], $0x3E80  }
0x3d: {  	[sflag:s18] =	ssyncset.done $0x0  }
0x3e: {  	[sflag:s18] =	ssyncadd.s32 $0xFFFFC180  }
0x3f: {  	_ =	swait.ge [sflag:s18], $0x3E80  }
0x40: {  	[sflag:s18] =	ssyncset.done $0x0  }
0x41: {  	[sflag:s18] =	ssyncadd.s32 $0xFFFFC180  }
0x42: {  	_ =	swait.ge [sflag:s18], $0x3E80  }
0x43: {  	[sflag:s18] =	ssyncset.done $0x0  }
0x44: {  	[sflag:s18] =	ssyncadd.s32 $0xFFFFC180  }
0x45: {  	[spmem:s1] =	stream.indirect.scatter.add.f32 [tilespmem:s13], [sflag:$0x1], $0x10, s19, s12, $0xb8;
	[tilespmem:$0xB3A0] =	vst v63  }
0x46: {  	_ = 	snop  }
0x47: {  	[spmem:s1] =	stream.indirect.scatter.add.f32 [tilespmem:s13], [sflag:$0x1], $0x10, s20, s12, $0xb8;
	[tilespmem:$0xB3A0] =	vst v63  }
0x48: {  	_ = 	snop  }
0x49: {  	[spmem:s1] =	stream.indirect.scatter.add.f32 [tilespmem:s13], [sflag:$0x1], $0x10, s21, s12, $0xb8;
	[tilespmem:$0xB3A0] =	vst v63  }
0x4a: {  	_ = 	snop  }
0x4b: {  	[spmem:s1] =	stream.indirect.scatter.add.f32 [tilespmem:s13], [sflag:$0x1], $0x10, s22, s12, $0xb8;
	[tilespmem:$0xB3A0] =	vst v63  }
0x4c: {  	_ = 	snop  }
0x4d: {  	[spmem:s1] =	stream.indirect.scatter.add.f32 [tilespmem:s13], [sflag:$0x1], $0x10, s23, s12, $0xb8;
	[tilespmem:$0xB3A0] =	vst v63  }
0x4e: {  	_ =	swait.ge [sflag:s18], $0x3E80  }
0x4f: {  	[sflag:s18] =	ssyncset.done $0x0  }
0x50: {  	[sflag:s18] =	ssyncadd.s32 $0xFFFFC180  }
0x51: {  	_ =	swait.ge [sflag:s18], $0x3E80  }
0x52: {  	[sflag:s18] =	ssyncset.done $0x0  }
0x53: {  	[sflag:s18] =	ssyncadd.s32 $0xFFFFC180  }
0x54: {  	_ =	swait.ge [sflag:s18], $0x3E80  }
0x55: {  	[sflag:s18] =	ssyncset.done $0x0  }
0x56: {  	[sflag:s18] =	ssyncadd.s32 $0xFFFFC180  }
0x57: {  	_ =	swait.ge [sflag:s18], $0x3E80  }
0x58: {  	[sflag:s18] =	ssyncset.done $0x0  }
0x59: {  	[sflag:s18] =	ssyncadd.s32 $0xFFFFC180  }
0x5a: {  	_ =	swait.ge [sflag:s18], $0x3E80  }
0x5b: {  	[sflag:s18] =	ssyncset.done $0x0  }
0x5c: {  	s31 =	sshll.u32 s2, $0x6;
	[sflag:s18] =	ssyncadd.s32 $0xFFFFC180  }
0x5d: {  	s28 =	sshrl.u32 s4, $0x3;
	s26 =	sor.u32 $0x1C02, s31;
	[bflag:$0x0] =	sbarrier.arrive $0xFFFF  }
0x5e: {  	[hbm:s7], [sflag:s26] =	dma.local [spmem:s28], $0x4E0  }
0x5f: {  	s24 =	sadd.s32 $0x1, s24;
	_ =	swait.ge [sflag:s10], $0x4E0  }
0x60: {  	p1 =	sne.s32 s24, s9;
	[sflag:s10] =	ssyncset.done $0x0  }
.Ltmp2:
0x61: {  	s28 =	sshrl.u32 @!p0 s5, $0x3;
	[sflag:s10] =	ssyncadd.s32 $0xFFFFFB20;
	(pc) =	sbr.rel @p1 .LBB2_1-.Ltmp2, $4  }
0x62: {  	[hbm:s8], [sflag:s26] =	dma.local @!p0 [spmem:s28], $0x20  }
0x63: {  	_ =	swait.ge @!p0 [sflag:s25], $0x20  }
0x64: {  	[sflag:s25] =	ssyncset.done @!p0 $0x0  }
0x65: {  	[sflag:s25] =	ssyncadd.s32 @!p0 $0xFFFFFFE0  }
0x66: {  	_ =	sfence.sel $0x180000  }
0x67: {  	[bflag:$0x0] =	sbarrier.arrive $0xFFFF  }
0x68: {  	_ =	strace $0x90000047  }
0x69: {  	s0 =	sadd.s32 @!p0 $0x100000, s0;
	[bflag:$0x2] =	sbarrier.arrive $0xFFFF  }
0x6a: {  	[sflag:s0] =	ssyncadd.tile.s32 @!p0 $0x1;
	_ =	shalt  }
.Lfunc_end2:
_tile_overlayer_lowered:
.L_overlay_start_2:
0x6b: {  	(tag) =	ssettag $0x2  }
0x6c: {  	s0 =	rddreg [dreg:$0x0];
	s2 =	stileid.u32  }
0x6d: {  	s1 =	rddreg [dreg:$0x1];
	p0 =	sne.s32 s2, $0x0  }
0x6e: {  	s3 =	rddreg [dreg:$0x2];
	[bflag:$0x3] =	sbarrier.arrive $0xFFFF;
	s2 =	simm.s32 @!p0 $0x1C02  }
0x6f: {  	[timem:s3], [sflag:s2] =	dma.local @!p0 [hbm:s0], s1  }
0x70: {  	s0 =	simm.s32 @!p0 $0x2  }
0x71: {  	_ =	swait.ge @!p0 [sflag:s0], s1  }
0x72: {  	s1 =	ssub.s32 @!p0 $0x0, s1;
	[sflag:s0] =	ssyncset.done @!p0 $0x0  }
0x73: {  	[sflag:s0] =	ssyncadd.s32 @!p0 s1  }
0x74: {  	[bflag:$0x3] =	sbarrier.arrive $0xFFFF  }
0x75: {  	_ =	shalt  }

// kernel: kernel.9.cloned.1.call-start
scs
__scs_entry_jumppad:
0x0: {  	(pc) =	sbr.rel $0x88, $3  }
0x1: {  	(tag) =	ssettag $0x0;
	lr =	simm.s32 $0x1  }
0x2: {  	[smem:$0x3F9C] =	sst lr;
	_ =	strace $0xD0000000  }
0x3: {  	_ = 	snop  }
0x4: {  	_ = 	snop  }
0x5: {  	_ = 	snop  }
0x6: {  	_ = 	snop  }
0x7: {  	_ = 	snop  }
__scs_overlays_trampoline_lowered:
0x8: {  	[smem:$0x3FAB] =	sst s0  }
0x9: {  	[smem:$0x3FAC] =	sst s1  }
0xa: {  	[smem:$0x3FAD] =	sst s2  }
0xb: {  	[smem:$0x3FAE] =	sst s3  }
0xc: {  	[smem:$0x3FAF] =	sst s4  }
0xd: {  	[smem:$0x3FB0] =	sst s5  }
0xe: {  	[smem:$0x3FB1] =	sst s6  }
0xf: {  	[smem:$0x3FB2] =	sst s7  }
0x10: {  	[smem:$0x3FB3] =	sst s8  }
0x11: {  	[smem:$0x3FB4] =	sst s9;
	s0 =	simm.s32 @!p0 $0x0  }
0x12: {  	s1 =	sld [smem:$0x3F9A];
	s0 =	simm.s32 @p0 $0x1  }
0x13: {  	[smem:$0x3FB5] =	sst s0;
	s0 =	simm.s32 @!p1 $0x0  }
0x14: {  	s2 =	sld [smem:$0x3F99];
	s0 =	simm.s32 @p1 $0x1  }
0x15: {  	[smem:$0x3FB6] =	sst s0;
	s0 =	simm.s32 @!p2 $0x0  }
0x16: {  	s3 =	sld [smem:$0x3FDB];
	s0 =	simm.s32 @p2 $0x1  }
0x17: {  	s4 =	simm.s32 $0x1BF5;
	[smem:$0x3FB8] =	sst s0  }
0x18: {  	s0 =	sld [smem:$0x3F9B];
	_ =	swait.ge [sflag:s4], $0x0  }
0x19: {  	s7 =	sld [smem:$0x3F9C]  }
0x1a: {  	s8 =	sadd.s32 $0xFFFFE003, lr  }
0x1b: {  	s9 =	sadd.s32 $0xFFFFFEF7, lr;
	s5 =	simm.s32 $0xFFFFFFFF;
	p2 =	slt.u32 s8, $0xFFFFF086  }
0x1c: {  	p1 =	slt.u32 s9, $0xF7A;
	s5 =	simm.s32 @!p2 $0x0  }
0x1d: {  	s5 =	simm.s32 @p1 $0x1;
	p0 =	seq.s32 s7, s2  }
0x1e: {  	s7 =	smul.u32 @!p0 $0xF7A, s2;
	p2 =	seq.s32 @!p0 s5, $0x0  }
0x1f: {  	s9 =	smul.u32 $0xF7A, s1;
	s8 =	simm.s32 @!p0 $0x1BF5;
	p2 =	por !p2, p0  }
0x20: {  	[sflag:s8] =	ssyncset.s32 @!p0 $0xFFFFF086;
	s6 =	sadd.s32 @!p0 s3, s7;
	s7 =	simm.s32 @!p0 $0x108  }
0x21: {  	s3 =	sadd.s32 s3, s9;
	s6 =	sadd.s32 @!p0 $0x88, s6;
	s7 =	simm.s32 @p2 $0x1082  }
0x22: {  	[simem:s7], [sflag:s8] =	dma.local @!p0 [hbm:s6], $0xF7A  }
0x23: {  	s9 =	sor.u32 $0xD0000000, s2;
	s6 =	simm.s32 $0x108;
	_ =	swait.ge @!p0 [sflag:s8], $0x0  }
0x24: {  	s3 =	sadd.s32 $0x88, s3;
	s6 =	simm.s32 @!p1 $0x1082;
	[sflag:s4] =	ssyncset.s32 $0xFFFFF086  }
0x25: {  	[simem:s6], [sflag:s4] =	dma.local [hbm:s3], $0xF7A  }
0x26: {  	[smem:$0x3F9C] =	sst s1;
	(tag) =	ssettag s2;
	_ =	strace s9  }
0x27: {  	s1 =	sld [smem:$0x3FAC]  }
0x28: {  	s2 =	sld [smem:$0x3FAD]  }
0x29: {  	s4 =	sld [smem:$0x3FAF]  }
0x2a: {  	p0 =	seq.s32 s5, $0x0;
	s5 =	sld [smem:$0x3FB0]  }
0x2b: {  	s6 =	sld [smem:$0x3FB1]  }
0x2c: {  	s7 =	sld [smem:$0x3FB2]  }
0x2d: {  	s3 =	simm.s32 $0x108;
	s8 =	sld [smem:$0x3FB3]  }
0x2e: {  	s3 =	simm.s32 @!p0 $0x1082;
	s9 =	sld [smem:$0x3FB4]  }
0x2f: {  	lr =	sadd.s32 s0, s3;
	s0 =	sld [smem:$0x3FAB]  }
0x30: {  	s3 =	sld [smem:$0x3FAE]  }
0x31: {  	[smem:$0x3FB7] =	sst s10  }
0x32: {  	s10 =	sld [smem:$0x3FB5];
	_ =	sdelay $0x3  }
0x33: {  	p0 =	seq.s32 s10, $0x1;
	s10 =	sld [smem:$0x3FB7];
	_ =	sdelay $0x3  }
0x34: {  	[smem:$0x3FB7] =	sst s10  }
0x35: {  	s10 =	sld [smem:$0x3FB6];
	_ =	sdelay $0x3  }
0x36: {  	p1 =	seq.s32 s10, $0x1;
	s10 =	sld [smem:$0x3FB7];
	_ =	sdelay $0x3  }
0x37: {  	[smem:$0x3FB7] =	sst s10  }
0x38: {  	s10 =	sld [smem:$0x3FB8]  }
0x39: {  	_ = 	snop;
	(pc) =	sbr.ind lr, $3  }
0x3a: {  	_ = 	snop  }
0x3b: {  	_ = 	snop  }
0x3c: {  	p2 =	seq.s32 s10, $0x1;
	s10 =	sld [smem:$0x3FB7]  }
0x3d: {  	_ =	shalt  }
0x3e: {  	_ =	shalt  }
0x3f: {  	_ =	shalt  }
0x40: {  	_ =	shalt  }
0x41: {  	_ =	shalt  }
0x42: {  	_ =	shalt  }
0x43: {  	_ =	shalt  }
0x44: {  	_ =	shalt  }
0x45: {  	_ =	shalt  }
0x46: {  	_ =	shalt  }
0x47: {  	_ =	shalt  }
0x48: {  	_ =	shalt  }
0x49: {  	_ =	shalt  }
0x4a: {  	_ =	shalt  }
0x4b: {  	_ =	shalt  }
0x4c: {  	_ =	shalt  }
0x4d: {  	_ =	shalt  }
0x4e: {  	_ =	shalt  }
0x4f: {  	_ =	shalt  }
0x50: {  	_ =	shalt  }
0x51: {  	_ =	shalt  }
0x52: {  	_ =	shalt  }
0x53: {  	_ =	shalt  }
0x54: {  	_ =	shalt  }
0x55: {  	_ =	shalt  }
0x56: {  	_ =	shalt  }
0x57: {  	_ =	shalt  }
0x58: {  	_ =	shalt  }
0x59: {  	_ =	shalt  }
0x5a: {  	_ =	shalt  }
0x5b: {  	_ =	shalt  }
0x5c: {  	_ =	shalt  }
0x5d: {  	_ =	shalt  }
0x5e: {  	_ =	shalt  }
0x5f: {  	_ =	shalt  }
0x60: {  	_ =	shalt  }
0x61: {  	_ =	shalt  }
0x62: {  	_ =	shalt  }
0x63: {  	_ =	shalt  }
0x64: {  	_ =	shalt  }
0x65: {  	_ =	shalt  }
0x66: {  	_ =	shalt  }
0x67: {  	_ =	shalt  }
0x68: {  	_ =	shalt  }
0x69: {  	_ =	shalt  }
0x6a: {  	_ =	shalt  }
0x6b: {  	_ =	shalt  }
0x6c: {  	_ =	shalt  }
0x6d: {  	_ =	shalt  }
0x6e: {  	_ =	shalt  }
0x6f: {  	_ =	shalt  }
0x70: {  	_ =	shalt  }
0x71: {  	_ =	shalt  }
0x72: {  	_ =	shalt  }
0x73: {  	_ =	shalt  }
0x74: {  	_ =	shalt  }
0x75: {  	_ =	shalt  }
0x76: {  	_ =	shalt  }
0x77: {  	_ =	shalt  }
0x78: {  	_ =	shalt  }
0x79: {  	_ =	shalt  }
0x7a: {  	_ =	shalt  }
0x7b: {  	_ =	shalt  }
0x7c: {  	_ =	shalt  }
0x7d: {  	_ =	shalt  }
0x7e: {  	_ =	shalt  }
0x7f: {  	_ =	shalt  }
0x80: {  	_ =	shalt  }
0x81: {  	_ =	shalt  }
0x82: {  	_ =	shalt  }
0x83: {  	_ =	shalt  }
0x84: {  	_ =	shalt  }
0x85: {  	_ =	shalt  }
0x86: {  	_ =	shalt  }
0x87: {  	_ =	shalt  }
.Lfunc_end0:
.L_simem_size_0:
called_computation.1_lowered:
.L_overlay_start_0:
0x88: {  	s2 =	sld [smem:$0x3FD9]  }
0x89: {  	s3 =	sld [smem:$0x3FFE];
	_ =	sdelay $0x1  }
0x8a: {  	s1 =	srdreg.scid  }
0x8b: {  	s0 =	sand.u32 $0x1, s1  }
0x8c: {  	s17 =	sshll.u32 s0, $0xA;
	s2 =	sadd.s32 s3, s2  }
0x8d: {  	s2 =	sadd.s32 s2, s17  }
0x8e: {  	[smem:$0x3FC3] =	sst s2  }
0x8f: {  	_ = 	snop  }
0x90: {  	s2 =	sld [smem:$0x3FD0];
	(tm) =	ssettm $0x1  }
0x91: {  	s18 =	sld [smem:$0x3FFB];
	_ =	sdelay $0x3  }
0x92: {  	_ =	strace s18  }
0x93: {  	s3 =	sld [smem:$0x3FFC];
	_ =	sdelay $0x3  }
0x94: {  	_ =	strace s3  }
0x95: {  	s3 =	sld [smem:$0x3FFD];
	_ =	sdelay $0x3  }
0x96: {  	_ =	strace s3  }
0x97: {  	_ =	strace $0x8FFFFFFF  }
0x98: {  	s19 =	sld [smem:$0x3FDB];
	_ =	sdelay $0x1  }
0x99: {  	s4 =	simm.s32 $_scs_section_size  }
0x9a: {  	s5 =	simm.s32 $_size__tile_overlayer_lowered;
	s6 =	simm.s32 $_tile_overlayer_lowered  }
0x9b: {  	s22 =	simm.s32 $0x1BFF;
	s21 =	sshll.u32 s6, $0x1;
	s3 =	sadd.s32 s4, s19  }
0x9c: {  	s7 =	simm.s32 $0x0;
	s20 =	sshll.u32 s5, $0x1;
	s5 =	sadd.s32 s21, s3  }
0x9d: {  	[timem:s7], [sflag:s22] =	dma.local [hbm:s5], s20  }
0x9e: {  	_ =	swait.ge [sflag:s22], s20  }
0x9f: {  	s4 =	ssub.s32 $0x0, s20;
	[sflag:s22] =	ssyncset.done $0x0  }
0xa0: {  	[sflag:s22] =	ssyncadd.s32 s4;
	_ =	sdelay $0x1  }
0xa1: {  	s23 =	simm.s32 $0x1B8B  }
0xa2: {  	_ =	swait.ge [sflag:s23], $0x1  }
0xa3: {  	[sflag:s23] =	ssyncset.done $0x0  }
0xa4: {  	s25 =	simm.s32 $0x1B8E;
	s24 =	sld [smem:$0x3FFE];
	[sflag:s23] =	ssyncadd.s32 $0xFFFFFFFF  }
0xa5: {  	s26 =	simm.s32 $execute0_lowered;
	[smem:$0x3FD2] =	sst s25  }
0xa6: {  	s5 =	sshll.u32 s26, $0x1;
	_ =	strace $0x80000049;
	[dreg:$0x1] =	wrdreg $0xFFFFFFFF  }
0xa7: {  	s28 =	simm.s32 $_size_execute0_lowered;
	s3 =	sadd.s32 s3, s5;
	[dreg:$0x0] =	wrdreg $0x0  }
0xa8: {  	s5 =	sshll.u32 s28, $0x1;
	[dreg:$0x2] =	wrdreg s3  }
0xa9: {  	[dreg:$0x3] =	wrdreg s5  }
0xaa: {  	[dreg:$0x4] =	wrdreg $0xC0  }
0xab: {  	_ =	task [dreg:s7], $0x5FFFF  }
0xac: {  	[dreg:$0x1] =	wrdreg $0xFFFFFFFF  }
0xad: {  	[dreg:$0x0] =	wrdreg $0x60  }
0xae: {  	[dreg:$0x2] =	wrdreg s24  }
0xaf: {  	[dreg:$0x3] =	wrdreg s2  }
0xb0: {  	[dreg:$0x4] =	wrdreg $0x148200  }
0xb1: {  	[dreg:$0x5] =	wrdreg $0x9  }
0xb2: {  	_ =	task.clear_ibuf [dreg:s7], $0x6FFFF;
	_ =	strace $0x90000049  }
0xb3: {  	s29 =	simm.s32 $0x9;
	_ =	strace $0x8000004B  }
0xb4: {  	_ =	swait.ge [sflag:s29], $0x1  }
0xb5: {  	[sflag:s29] =	ssyncadd.s32 $0xFFFFFFFF  }
0xb6: {  	_ =	strace $0x9000004B  }
0xb7: {  	_ =	sfence  }
0xb8: {  	s30 =	sld [smem:$0x0];
	_ =	sdelay $0x2  }
0xb9: {  	s31 =	sshll.u32 s1, $0xD;
	s1 =	sshrl.u32 s1, $0x2  }
0xba: {  	s3 =	sand.u32 $0x4000, s31;
	s1 =	sadd.s32 s1, s30  }
0xbb: {  	s0 =	sor.u32 s3, s0;
	s1 =	sshll.u32 s1, $0x11  }
0xbc: {  	s0 =	sor.u32 s1, s0  }
0xbd: {  	s0 =	sadd.s32 $0x8F2B, s0  }
0xbe: {  	[sflag:s0] =	ssyncadd.remote.s32 $0x1  }
0xbf: {  	_ =	sfence.sel $0xFFFF  }
0xc0: {  	[dreg:$0x0] =	wrdreg $0xFFFFFFFF;
	(pc) =	sbr.abs _section_cstart, $3  }
0xc1: {  	[dreg:$0x1] =	wrdreg $0xFFFFFFFF  }
0xc2: {  	_ =	task.clear_ibuf [dreg:s7], $0x2FFFF;
	_ =	strace $0x9FFFFFFF  }
0xc3: {  	(tm) =	ssettm $0x7FFFFFFF  }
tec
execute0_lowered:
.L_overlay_start_1:
0x0: {  	(tag) =	ssettag $0x1  }
0x1: {  	s0 =	rddreg [dreg:$0x0]  }
0x2: {  	s3 =	rddreg [dreg:$0x1]  }
0x3: {  	s2 =	srdreg.scid;
	s7 =	stileid.u32  }
0x4: {  	s1 =	rddreg [dreg:$0x2];
	s8 =	smul.u32 $0x4E20, s7  }
0x5: {  	s17 =	simm.s32 $0x0;
	s2 =	sand.u32 $0x1, s2;
	s4 =	smul.u32 $0x9C00, s7  }
0x6: {  	[smem:$0x7FF] =	sst s17;
	s5 =	smul.u32 $0x9C400, s2;
	s8 =	sshrl.u32 s8, $0x3  }
0x7: {  	s10 =	sadd.s32 $0x1600, s0;
	[dreg:$0xf] =	wrdreg s2;
	s12 =	sadd.s32 s3, s8  }
0x8: {  	_ =	strace $0x8000004A;
	s6 =	sadd.s32 s4, s5;
	s3 =	sadd.s32 $0x9C40, s12  }
0x9: {  	s11 =	sshrl.u32 s5, $0x4;
	s31 =	sadd.s32 $0x4E2, s12;
	[dreg:$0x6] =	wrdreg s3  }
0xa: {  	s6 =	sshrl.u32 s6, $0x4;
	s2 =	sadd.s32 $0xA122, s12;
	[dreg:$0x7] =	wrdreg s31  }
0xb: {  	s9 =	sadd.s32 $0x9C00, s11;
	s29 =	sadd.s32 s10, s6;
	[dreg:$0x8] =	wrdreg s2  }
0xc: {  	s0 =	sadd.s32 $0x15000, s0;
	s30 =	sadd.s32 s10, s9;
	[dreg:$0x4] =	wrdreg s29  }
0xd: {  	s4 =	sshrl.u32 s4, $0x1;
	s6 =	sadd.s32 s0, s6;
	[dreg:$0x5] =	wrdreg s30  }
0xe: {  	s8 =	sshll.u32 s7, $0x6;
	s0 =	sadd.s32 s0, s9;
	[dreg:$0x9] =	wrdreg s6  }
0xf: {  	s4 =	sadd.s32 s4, s1;
	s2 =	sor.u32 $0x1C03, s8;
	[dreg:$0xa] =	wrdreg s0  }
0x10: {  	s31 =	sshrl.u32 s4, $0x3;
	s6 =	simm.s32 $0x3;
	s13 =	rddreg [dreg:$0x4]  }
0x11: {  	[spmem:s31], [sflag:s2] =	dma.local [hbm:s13], $0x9C0  }
0x12: {  	p0 =	sne.s32 s7, $0x0;
	_ =	swait.ge [sflag:s6], $0x9C0  }
0x13: {  	s3 =	sadd.s32 $0x4E000, s1;
	s9 =	simm.s32 @!p0 $0x3;
	[sflag:s6] =	ssyncset.done $0x0  }
0x14: {  	s8 =	sshrl.u32 @!p0 s3, $0x3;
	s0 =	rddreg [dreg:$0x5];
	[sflag:s6] =	ssyncadd.s32 $0xFFFFF640  }
0x15: {  	[spmem:s8], [sflag:s2] =	dma.local @!p0 [hbm:s0], $0x40  }
0x16: {  	_ =	swait.ge @!p0 [sflag:s9], $0x40  }
0x17: {  	[sflag:s9] =	ssyncset.done @!p0 $0x0  }
0x18: {  	[sflag:s9] =	ssyncadd.s32 @!p0 $0xFFFFFFC0  }
0x19: {  	[bflag:$0x0] =	sbarrier.arrive $0xFFFF  }
0x1a: {  	[dreg:$0xb] =	wrdreg s12  }
0x1b: {  	[tilespmem:s17], [sflag:$0x3] =	stream.linear.gather [hbm4b:s12+s17], $0x2710, $0x38;
	[tilespmem:$0x19640] =	vst v63  }
0x1c: {  	_ =	swait.ge [sflag:s6], $0x2710  }
0x1d: {  	[sflag:s6] =	ssyncset.done $0x0  }
0x1e: {  	s3 =	simm.s32 $0x2710;
	s14 =	rddreg [dreg:$0x6];
	[sflag:s6] =	ssyncadd.s32 $0xFFFFD8F0  }
0x1f: {  	[tilespmem:s3], [sflag:$0x3] =	stream.linear.gather [hbm4b:s14+s17], $0x2710, $0x38;
	[tilespmem:$0x19640] =	vst v63  }
0x20: {  	_ =	swait.ge [sflag:s6], $0x2710  }
0x21: {  	s10 =	sadd.s32 s10, s11;
	[sflag:s6] =	ssyncset.done $0x0  }
0x22: {  	s11 =	simm.s32 $0x3E8;
	s12 =	simm.s32 $0x4E20;
	[sflag:s6] =	ssyncadd.s32 $0xFFFFD8F0  }
0x23: {  	[tilespmem:s12], [sflag:$0x1] =	stream.indirect.gather [hbm4b:s10+s11], $0x20, s17, s11, $0xb8;
	[tilespmem:$0x19640] =	vst v63  }
0x24: {  	s13 =	simm.s32 $0xCB20;
	s14 =	simm.s32 $0x1  }
0x25: {  	[tilespmem:s13], [sflag:$0x2] =	stream.indirect.gather [hbm4b:s10+s11], $0x20, s11, s11, $0xb8;
	[tilespmem:$0x19640] =	vst v63  }
0x26: {  	_ =	swait.ge [sflag:s14], $0x7D00  }
0x27: {  	[sflag:s14] =	ssyncset.done $0x0  }
0x28: {  	[sflag:s14] =	ssyncadd.s32 $0xFFFF8300  }
0x29: {  	[spmem:s1] =	stream.indirect.scatter.add.bf16 [tilespmem:s12], [sflag:$0x3], $0x20, s3, s11, $0xb8;
	[tilespmem:$0x19640] =	vst v63  }
0x2a: {  	_ =	swait.ge [sflag:s6], $0x7D00  }
0x2b: {  	[sflag:s6] =	ssyncset.done $0x0  }
0x2c: {  	s15 =	simm.s32 $0x7D0;
	s16 =	simm.s32 $0x2;
	[sflag:s6] =	ssyncadd.s32 $0xFFFF8300  }
0x2d: {  	[tilespmem:s12], [sflag:$0x1] =	stream.indirect.gather [hbm4b:s10+s11], $0x20, s15, s11, $0xb8;
	[tilespmem:$0x19640] =	vst v63  }
0x2e: {  	_ =	swait.ge [sflag:s16], $0x7D00  }
0x2f: {  	[sflag:s16] =	ssyncset.done $0x0  }
0x30: {  	s18 =	simm.s32 $0x2AF8;
	[sflag:s16] =	ssyncadd.s32 $0xFFFF8300  }
0x31: {  	[spmem:s1] =	stream.indirect.scatter.add.bf16 [tilespmem:s13], [sflag:$0x3], $0x20, s18, s11, $0xb8;
	[tilespmem:$0x19640] =	vst v63  }
0x32: {  	_ =	swait.ge [sflag:s6], $0x7D00  }
0x33: {  	[sflag:s6] =	ssyncset.done $0x0  }
0x34: {  	s19 =	simm.s32 $0xBB8;
	[sflag:s6] =	ssyncadd.s32 $0xFFFF8300  }
0x35: {  	[tilespmem:s13], [sflag:$0x2] =	stream.indirect.gather [hbm4b:s10+s11], $0x20, s19, s11, $0xb8;
	[tilespmem:$0x19640] =	vst v63  }
0x36: {  	_ =	swait.ge [sflag:s14], $0x7D00  }
0x37: {  	[sflag:s14] =	ssyncset.done $0x0  }
0x38: {  	s20 =	simm.s32 $0x2EE0;
	[sflag:s14] =	ssyncadd.s32 $0xFFFF8300  }
0x39: {  	[spmem:s1] =	stream.indirect.scatter.add.bf16 [tilespmem:s12], [sflag:$0x3], $0x20, s20, s11, $0xb8;
	[tilespmem:$0x19640] =	vst v63  }
0x3a: {  	_ =	swait.ge [sflag:s6], $0x7D00  }
0x3b: {  	[sflag:s6] =	ssyncset.done $0x0  }
0x3c: {  	s21 =	simm.s32 $0xFA0;
	[sflag:s6] =	ssyncadd.s32 $0xFFFF8300  }
0x3d: {  	[tilespmem:s12], [sflag:$0x1] =	stream.indirect.gather [hbm4b:s10+s11], $0x20, s21, s11, $0xb8;
	[tilespmem:$0x19640] =	vst v63  }
0x3e: {  	_ =	swait.ge [sflag:s16], $0x7D00  }
0x3f: {  	[sflag:s16] =	ssyncset.done $0x0  }
0x40: {  	s22 =	simm.s32 $0x32C8;
	[sflag:s16] =	ssyncadd.s32 $0xFFFF8300  }
0x41: {  	[spmem:s1] =	stream.indirect.scatter.add.bf16 [tilespmem:s13], [sflag:$0x3], $0x20, s22, s11, $0xb8;
	[tilespmem:$0x19640] =	vst v63  }
0x42: {  	_ =	swait.ge [sflag:s6], $0x7D00  }
0x43: {  	[sflag:s6] =	ssyncset.done $0x0  }
0x44: {  	s23 =	simm.s32 $0x1388;
	[sflag:s6] =	ssyncadd.s32 $0xFFFF8300  }
0x45: {  	[tilespmem:s13], [sflag:$0x2] =	stream.indirect.gather [hbm4b:s10+s11], $0x20, s23, s11, $0xb8;
	[tilespmem:$0x19640] =	vst v63  }
0x46: {  	_ =	swait.ge [sflag:s14], $0x7D00  }
0x47: {  	[sflag:s14] =	ssyncset.done $0x0  }
0x48: {  	s24 =	simm.s32 $0x36B0;
	[sflag:s14] =	ssyncadd.s32 $0xFFFF8300  }
0x49: {  	[spmem:s1] =	stream.indirect.scatter.add.bf16 [tilespmem:s12], [sflag:$0x3], $0x20, s24, s11, $0xb8;
	[tilespmem:$0x19640] =	vst v63  }
0x4a: {  	_ =	swait.ge [sflag:s6], $0x7D00  }
0x4b: {  	[sflag:s6] =	ssyncset.done $0x0  }
0x4c: {  	s25 =	simm.s32 $0x1770;
	[sflag:s6] =	ssyncadd.s32 $0xFFFF8300  }
0x4d: {  	[tilespmem:s12], [sflag:$0x1] =	stream.indirect.gather [hbm4b:s10+s11], $0x20, s25, s11, $0xb8;
	[tilespmem:$0x19640] =	vst v63  }
0x4e: {  	_ =	swait.ge [sflag:s16], $0x7D00  }
0x4f: {  	[sflag:s16] =	ssyncset.done $0x0  }
0x50: {  	s26 =	simm.s32 $0x3A98;
	[sflag:s16] =	ssyncadd.s32 $0xFFFF8300  }
0x51: {  	[spmem:s1] =	stream.indirect.scatter.add.bf16 [tilespmem:s13], [sflag:$0x3], $0x20, s26, s11, $0xb8;
	[tilespmem:$0x19640] =	vst v63  }
0x52: {  	_ =	swait.ge [sflag:s6], $0x7D00  }
0x53: {  	[sflag:s6] =	ssyncset.done $0x0  }
0x54: {  	s28 =	simm.s32 $0x1B58;
	[sflag:s6] =	ssyncadd.s32 $0xFFFF8300  }
0x55: {  	[tilespmem:s13], [sflag:$0x2] =	stream.indirect.gather [hbm4b:s10+s11], $0x20, s28, s11, $0xb8;
	[tilespmem:$0x19640] =	vst v63  }
0x56: {  	_ =	swait.ge [sflag:s14], $0x7D00  }
0x57: {  	[sflag:s14] =	ssyncset.done $0x0  }
0x58: {  	s29 =	simm.s32 $0x3E80;
	[sflag:s14] =	ssyncadd.s32 $0xFFFF8300  }
0x59: {  	[spmem:s1] =	stream.indirect.scatter.add.bf16 [tilespmem:s12], [sflag:$0x3], $0x20, s29, s11, $0xb8;
	[tilespmem:$0x19640] =	vst v63  }
0x5a: {  	_ =	swait.ge [sflag:s6], $0x7D00  }
0x5b: {  	[sflag:s6] =	ssyncset.done $0x0  }
0x5c: {  	s30 =	simm.s32 $0x1F40;
	[sflag:s6] =	ssyncadd.s32 $0xFFFF8300  }
0x5d: {  	[tilespmem:s12], [sflag:$0x1] =	stream.indirect.gather [hbm4b:s10+s11], $0x20, s30, s11, $0xb8;
	[tilespmem:$0x19640] =	vst v63  }
0x5e: {  	_ =	swait.ge [sflag:s16], $0x7D00  }
0x5f: {  	[sflag:s16] =	ssyncset.done $0x0  }
0x60: {  	s7 =	simm.s32 $0x4268;
	[sflag:s16] =	ssyncadd.s32 $0xFFFF8300  }
0x61: {  	[spmem:s1] =	stream.indirect.scatter.add.bf16 [tilespmem:s13], [sflag:$0x3], $0x20, s7, s11, $0xb8;
	[tilespmem:$0x19640] =	vst v63  }
0x62: {  	_ =	swait.ge [sflag:s6], $0x7D00  }
0x63: {  	[sflag:s6] =	ssyncset.done $0x0  }
0x64: {  	s0 =	simm.s32 $0x2328;
	[sflag:s6] =	ssyncadd.s32 $0xFFFF8300  }
0x65: {  	[tilespmem:s13], [sflag:$0x2] =	stream.indirect.gather [hbm4b:s10+s11], $0x20, s0, s11, $0xb8;
	[tilespmem:$0x19640] =	vst v63  }
0x66: {  	_ =	swait.ge [sflag:s14], $0x7D00  }
0x67: {  	[sflag:s14] =	ssyncset.done $0x0  }
0x68: {  	s5 =	simm.s32 $0x4650;
	[sflag:s14] =	ssyncadd.s32 $0xFFFF8300  }
0x69: {  	[spmem:s1] =	stream.indirect.scatter.add.bf16 [tilespmem:s12], [sflag:$0x3], $0x20, s5, s11, $0xb8;
	[tilespmem:$0x19640] =	vst v63  }
0x6a: {  	_ =	swait.ge [sflag:s6], $0x7D00  }
0x6b: {  	[sflag:s6] =	ssyncset.done $0x0  }
0x6c: {  	[sflag:s6] =	ssyncadd.s32 $0xFFFF8300  }
0x6d: {  	_ =	swait.ge [sflag:s16], $0x7D00  }
0x6e: {  	[sflag:s16] =	ssyncset.done $0x0  }
0x6f: {  	s4 =	simm.s32 $0x4A38;
	[sflag:s16] =	ssyncadd.s32 $0xFFFF8300  }
0x70: {  	[spmem:s1] =	stream.indirect.scatter.add.bf16 [tilespmem:s13], [sflag:$0x3], $0x20, s4, s11, $0xb8;
	[tilespmem:$0x19640] =	vst v63  }
0x71: {  	_ =	swait.ge [sflag:s6], $0x7D00  }
0x72: {  	[sflag:s6] =	ssyncset.done $0x0  }
0x73: {  	s15 =	rddreg [dreg:$0x7];
	[sflag:s6] =	ssyncadd.s32 $0xFFFF8300  }
0x74: {  	[tilespmem:s17], [sflag:$0x3] =	stream.linear.gather [hbm4b:s15+s17], $0x2710, $0x38;
	[tilespmem:$0x19640] =	vst v63  }
0x75: {  	_ =	swait.ge [sflag:s6], $0x2710  }
0x76: {  	[sflag:s6] =	ssyncset.done $0x0  }
0x77: {  	s15 =	rddreg [dreg:$0x8];
	[sflag:s6] =	ssyncadd.s32 $0xFFFFD8F0  }
0x78: {  	[tilespmem:s3], [sflag:$0x3] =	stream.linear.gather [hbm4b:s15+s17], $0x2710, $0x38;
	[tilespmem:$0x19640] =	vst v63  }
0x79: {  	_ =	swait.ge [sflag:s6], $0x2710  }
0x7a: {  	[sflag:s6] =	ssyncset.done $0x0  }
0x7b: {  	[sflag:s6] =	ssyncadd.s32 $0xFFFFD8F0  }
0x7c: {  	[tilespmem:s12], [sflag:$0x1] =	stream.indirect.gather [hbm4b:s10+s11], $0x20, s17, s11, $0xb8;
	[tilespmem:$0x19640] =	vst v63  }
0x7d: {  	_ = 	snop  }
0x7e: {  	[tilespmem:s13], [sflag:$0x2] =	stream.indirect.gather [hbm4b:s10+s11], $0x20, s11, s11, $0xb8;
	[tilespmem:$0x19640] =	vst v63  }
0x7f: {  	_ =	swait.ge [sflag:s14], $0x7D00  }
0x80: {  	[sflag:s14] =	ssyncset.done $0x0  }
0x81: {  	[sflag:s14] =	ssyncadd.s32 $0xFFFF8300  }
0x82: {  	[spmem:s1] =	stream.indirect.scatter.add.bf16 [tilespmem:s12], [sflag:$0x3], $0x20, s3, s11, $0xb8;
	[tilespmem:$0x19640] =	vst v63  }
0x83: {  	_ =	swait.ge [sflag:s6], $0x7D00  }
0x84: {  	[sflag:s6] =	ssyncset.done $0x0  }
0x85: {  	s17 =	simm.s32 $0x7D0;
	[sflag:s6] =	ssyncadd.s32 $0xFFFF8300  }
0x86: {  	[tilespmem:s12], [sflag:$0x1] =	stream.indirect.gather [hbm4b:s10+s11], $0x20, s17, s11, $0xb8;
	[tilespmem:$0x19640] =	vst v63  }
0x87: {  	_ =	swait.ge [sflag:s16], $0x7D00  }
0x88: {  	[sflag:s16] =	ssyncset.done $0x0  }
0x89: {  	[sflag:s16] =	ssyncadd.s32 $0xFFFF8300  }
0x8a: {  	[spmem:s1] =	stream.indirect.scatter.add.bf16 [tilespmem:s13], [sflag:$0x3], $0x20, s18, s11, $0xb8;
	[tilespmem:$0x19640] =	vst v63  }
0x8b: {  	_ =	swait.ge [sflag:s6], $0x7D00  }
0x8c: {  	[sflag:s6] =	ssyncset.done $0x0  }
0x8d: {  	[sflag:s6] =	ssyncadd.s32 $0xFFFF8300  }
0x8e: {  	[tilespmem:s13], [sflag:$0x2] =	stream.indirect.gather [hbm4b:s10+s11], $0x20, s19, s11, $0xb8;
	[tilespmem:$0x19640] =	vst v63  }
0x8f: {  	_ =	swait.ge [sflag:s14], $0x7D00  }
0x90: {  	[sflag:s14] =	ssyncset.done $0x0  }
0x91: {  	[sflag:s14] =	ssyncadd.s32 $0xFFFF8300  }
0x92: {  	[spmem:s1] =	stream.indirect.scatter.add.bf16 [tilespmem:s12], [sflag:$0x3], $0x20, s20, s11, $0xb8;
	[tilespmem:$0x19640] =	vst v63  }
0x93: {  	_ =	swait.ge [sflag:s6], $0x7D00  }
0x94: {  	[sflag:s6] =	ssyncset.done $0x0  }
0x95: {  	[sflag:s6] =	ssyncadd.s32 $0xFFFF8300  }
0x96: {  	[tilespmem:s12], [sflag:$0x1] =	stream.indirect.gather [hbm4b:s10+s11], $0x20, s21, s11, $0xb8;
	[tilespmem:$0x19640] =	vst v63  }
0x97: {  	_ =	swait.ge [sflag:s16], $0x7D00  }
0x98: {  	[sflag:s16] =	ssyncset.done $0x0  }
0x99: {  	[sflag:s16] =	ssyncadd.s32 $0xFFFF8300  }
0x9a: {  	[spmem:s1] =	stream.indirect.scatter.add.bf16 [tilespmem:s13], [sflag:$0x3], $0x20, s22, s11, $0xb8;
	[tilespmem:$0x19640] =	vst v63  }
0x9b: {  	_ =	swait.ge [sflag:s6], $0x7D00  }
0x9c: {  	[sflag:s6] =	ssyncset.done $0x0  }
0x9d: {  	[sflag:s6] =	ssyncadd.s32 $0xFFFF8300  }
0x9e: {  	[tilespmem:s13], [sflag:$0x2] =	stream.indirect.gather [hbm4b:s10+s11], $0x20, s23, s11, $0xb8;
	[tilespmem:$0x19640] =	vst v63  }
0x9f: {  	_ =	swait.ge [sflag:s14], $0x7D00  }
0xa0: {  	[sflag:s14] =	ssyncset.done $0x0  }
0xa1: {  	[sflag:s14] =	ssyncadd.s32 $0xFFFF8300  }
0xa2: {  	[spmem:s1] =	stream.indirect.scatter.add.bf16 [tilespmem:s12], [sflag:$0x3], $0x20, s24, s11, $0xb8;
	[tilespmem:$0x19640] =	vst v63  }
0xa3: {  	_ =	swait.ge [sflag:s6], $0x7D00  }
0xa4: {  	[sflag:s6] =	ssyncset.done $0x0  }
0xa5: {  	[sflag:s6] =	ssyncadd.s32 $0xFFFF8300  }
0xa6: {  	[tilespmem:s12], [sflag:$0x1] =	stream.indirect.gather [hbm4b:s10+s11], $0x20, s25, s11, $0xb8;
	[tilespmem:$0x19640] =	vst v63  }
0xa7: {  	_ =	swait.ge [sflag:s16], $0x7D00  }
0xa8: {  	[sflag:s16] =	ssyncset.done $0x0  }
0xa9: {  	[sflag:s16] =	ssyncadd.s32 $0xFFFF8300  }
0xaa: {  	[spmem:s1] =	stream.indirect.scatter.add.bf16 [tilespmem:s13], [sflag:$0x3], $0x20, s26, s11, $0xb8;
	[tilespmem:$0x19640] =	vst v63  }
0xab: {  	_ =	swait.ge [sflag:s6], $0x7D00  }
0xac: {  	[sflag:s6] =	ssyncset.done $0x0  }
0xad: {  	[sflag:s6] =	ssyncadd.s32 $0xFFFF8300  }
0xae: {  	[tilespmem:s13], [sflag:$0x2] =	stream.indirect.gather [hbm4b:s10+s11], $0x20, s28, s11, $0xb8;
	[tilespmem:$0x19640] =	vst v63  }
0xaf: {  	_ =	swait.ge [sflag:s14], $0x7D00  }
0xb0: {  	[sflag:s14] =	ssyncset.done $0x0  }
0xb1: {  	[sflag:s14] =	ssyncadd.s32 $0xFFFF8300  }
0xb2: {  	[spmem:s1] =	stream.indirect.scatter.add.bf16 [tilespmem:s12], [sflag:$0x3], $0x20, s29, s11, $0xb8;
	[tilespmem:$0x19640] =	vst v63  }
0xb3: {  	_ =	swait.ge [sflag:s6], $0x7D00  }
0xb4: {  	[sflag:s6] =	ssyncset.done $0x0  }
0xb5: {  	[sflag:s6] =	ssyncadd.s32 $0xFFFF8300  }
0xb6: {  	[tilespmem:s12], [sflag:$0x1] =	stream.indirect.gather [hbm4b:s10+s11], $0x20, s30, s11, $0xb8;
	[tilespmem:$0x19640] =	vst v63  }
0xb7: {  	_ =	swait.ge [sflag:s16], $0x7D00  }
0xb8: {  	[sflag:s16] =	ssyncset.done $0x0  }
0xb9: {  	[sflag:s16] =	ssyncadd.s32 $0xFFFF8300  }
0xba: {  	[spmem:s1] =	stream.indirect.scatter.add.bf16 [tilespmem:s13], [sflag:$0x3], $0x20, s7, s11, $0xb8;
	[tilespmem:$0x19640] =	vst v63  }
0xbb: {  	_ =	swait.ge [sflag:s6], $0x7D00  }
0xbc: {  	[sflag:s6] =	ssyncset.done $0x0  }
0xbd: {  	[sflag:s6] =	ssyncadd.s32 $0xFFFF8300  }
0xbe: {  	[tilespmem:s13], [sflag:$0x2] =	stream.indirect.gather [hbm4b:s10+s11], $0x20, s0, s11, $0xb8;
	[tilespmem:$0x19640] =	vst v63  }
0xbf: {  	_ =	swait.ge [sflag:s14], $0x7D00  }
0xc0: {  	[sflag:s14] =	ssyncset.done $0x0  }
0xc1: {  	[sflag:s14] =	ssyncadd.s32 $0xFFFF8300  }
0xc2: {  	[spmem:s1] =	stream.indirect.scatter.add.bf16 [tilespmem:s12], [sflag:$0x3], $0x20, s5, s11, $0xb8;
	[tilespmem:$0x19640] =	vst v63  }
0xc3: {  	_ =	swait.ge [sflag:s6], $0x7D00  }
0xc4: {  	[sflag:s6] =	ssyncset.done $0x0  }
0xc5: {  	[sflag:s6] =	ssyncadd.s32 $0xFFFF8300  }
0xc6: {  	_ =	swait.ge [sflag:s16], $0x7D00  }
0xc7: {  	[sflag:s16] =	ssyncset.done $0x0  }
0xc8: {  	[sflag:s16] =	ssyncadd.s32 $0xFFFF8300  }
0xc9: {  	[spmem:s1] =	stream.indirect.scatter.add.bf16 [tilespmem:s13], [sflag:$0x3], $0x20, s4, s11, $0xb8;
	[tilespmem:$0x19640] =	vst v63  }
0xca: {  	_ =	swait.ge [sflag:s6], $0x7D00  }
0xcb: {  	[sflag:s6] =	ssyncset.done $0x0  }
0xcc: {  	[sflag:s6] =	ssyncadd.s32 $0xFFFF8300  }
0xcd: {  	[bflag:$0x0] =	sbarrier.arrive $0xFFFF  }
0xce: {  	s28 =	rddreg [dreg:$0x9]  }
0xcf: {  	[dreg:$0xc] =	wrdreg s31  }
0xd0: {  	[hbm:s28], [sflag:s2] =	dma.local [spmem:s31], $0x9C0  }
0xd1: {  	_ =	swait.ge [sflag:s6], $0x9C0  }
0xd2: {  	s29 =	rddreg [dreg:$0xf]  }
0xd3: {  	s30 =	ssub.s32 $0x2, s29  }
0xd4: {  	s31 =	sshrl.u32 s30, $0x1  }
0xd5: {  	s15 =	ssub.s32 s30, s31  }
0xd6: {  	s15 =	smax.u32 s15, $0x1  }
0xd7: {  	s15 =	sadd.s32 $0xFFFFFFFF, s15  }
0xd8: {  	p1 =	sne.s32 s15, $0x0  }
.Ltmp0:
0xd9: {  	[dreg:$0xd] =	wrdreg s8;
	(pc) =	sbr.rel @!p1 .LBB2_3-.Ltmp0, $4  }
0xda: {  	[dreg:$0xe] =	wrdreg s2;
	[sflag:s6] =	ssyncset.done $0x0  }
0xdb: {  	s0 =	rddreg [dreg:$0xa];
	[sflag:s6] =	ssyncadd.s32 $0xFFFFF640  }
0xdc: {  	[hbm:s0], [sflag:s2] =	dma.local @!p0 [spmem:s8], $0x40  }
0xdd: {  	_ =	swait.ge @!p0 [sflag:s9], $0x40  }
0xde: {  	s7 =	simm.s32 $0x0  }
0xdf: {  	s18 =	simm.s32 $0x7D0;
	s19 =	simm.s32 $0x2AF8;
	s20 =	simm.s32 $0xBB8  }
0xe0: {  	s21 =	simm.s32 $0x2EE0;
	s22 =	simm.s32 $0xFA0;
	s23 =	simm.s32 $0x32C8  }
0xe1: {  	s24 =	simm.s32 $0x1388;
	s25 =	simm.s32 $0x36B0;
	s26 =	simm.s32 $0x1770  }
0xe2: {  	s28 =	simm.s32 $0x3A98;
	s29 =	simm.s32 $0x1B58;
	s30 =	simm.s32 $0x3E80  }
0xe3: {  	s31 =	simm.s32 $0x1F40;
	s5 =	simm.s32 $0x4650;
	s4 =	simm.s32 $0x4A38  }
.LBB2_2:
0xe4: {  	s17 =	rddreg [dreg:$0x4]  }
0xe5: {  	[sflag:s9] =	ssyncset.done @!p0 $0x0;
	s8 =	rddreg [dreg:$0xc]  }
0xe6: {  	s2 =	rddreg [dreg:$0xe];
	[sflag:s9] =	ssyncadd.s32 @!p0 $0xFFFFFFC0  }
0xe7: {  	[spmem:s8], [sflag:s2] =	dma.local [hbm:s17], $0x9C0  }
0xe8: {  	_ =	swait.ge [sflag:s6], $0x9C0  }
0xe9: {  	[sflag:s6] =	ssyncset.done $0x0;
	s17 =	rddreg [dreg:$0x5]  }
0xea: {  	s0 =	simm.s32 @!p0 $0x3;
	s9 =	rddreg [dreg:$0xd];
	[sflag:s6] =	ssyncadd.s32 $0xFFFFF640  }
0xeb: {  	[spmem:s9], [sflag:s2] =	dma.local @!p0 [hbm:s17], $0x40  }
0xec: {  	_ =	swait.ge @!p0 [sflag:s0], $0x40  }
0xed: {  	[sflag:s0] =	ssyncset.done @!p0 $0x0  }
0xee: {  	[sflag:s0] =	ssyncadd.s32 @!p0 $0xFFFFFFC0  }
0xef: {  	[bflag:$0x0] =	sbarrier.arrive $0xFFFF  }
0xf0: {  	s0 =	rddreg [dreg:$0xb]  }
0xf1: {  	[tilespmem:s7], [sflag:$0x3] =	stream.linear.gather [hbm4b:s0+s7], $0x2710, $0x38;
	[tilespmem:$0x19640] =	vst v63  }
0xf2: {  	_ =	swait.ge [sflag:s6], $0x2710  }
0xf3: {  	[sflag:s6] =	ssyncset.done $0x0  }
0xf4: {  	s0 =	simm.s32 $0x2710;
	s3 =	rddreg [dreg:$0x6];
	[sflag:s6] =	ssyncadd.s32 $0xFFFFD8F0  }
0xf5: {  	[tilespmem:s0], [sflag:$0x3] =	stream.linear.gather [hbm4b:s3+s7], $0x2710, $0x38;
	[tilespmem:$0x19640] =	vst v63  }
0xf6: {  	_ =	swait.ge [sflag:s6], $0x2710  }
0xf7: {  	[sflag:s6] =	ssyncset.done $0x0  }
0xf8: {  	[sflag:s6] =	ssyncadd.s32 $0xFFFFD8F0  }
0xf9: {  	[tilespmem:s12], [sflag:$0x1] =	stream.indirect.gather [hbm4b:s10+s11], $0x20, s7, s11, $0xb8;
	[tilespmem:$0x19640] =	vst v63  }
0xfa: {  	_ = 	snop  }
0xfb: {  	[tilespmem:s13], [sflag:$0x2] =	stream.indirect.gather [hbm4b:s10+s11], $0x20, s11, s11, $0xb8;
	[tilespmem:$0x19640] =	vst v63  }
0xfc: {  	_ =	swait.ge [sflag:s14], $0x7D00  }
0xfd: {  	[sflag:s14] =	ssyncset.done $0x0  }
0xfe: {  	[sflag:s14] =	ssyncadd.s32 $0xFFFF8300  }
0xff: {  	[spmem:s1] =	stream.indirect.scatter.add.bf16 [tilespmem:s12], [sflag:$0x3], $0x20, s0, s11, $0xb8;
	[tilespmem:$0x19640] =	vst v63  }
0x100: {  	_ =	swait.ge [sflag:s6], $0x7D00  }
0x101: {  	[sflag:s6] =	ssyncset.done $0x0  }
0x102: {  	[sflag:s6] =	ssyncadd.s32 $0xFFFF8300  }
0x103: {  	[tilespmem:s12], [sflag:$0x1] =	stream.indirect.gather [hbm4b:s10+s11], $0x20, s18, s11, $0xb8;
	[tilespmem:$0x19640] =	vst v63  }
0x104: {  	_ =	swait.ge [sflag:s16], $0x7D00  }
0x105: {  	[sflag:s16] =	ssyncset.done $0x0  }
0x106: {  	[sflag:s16] =	ssyncadd.s32 $0xFFFF8300  }
0x107: {  	[spmem:s1] =	stream.indirect.scatter.add.bf16 [tilespmem:s13], [sflag:$0x3], $0x20, s19, s11, $0xb8;
	[tilespmem:$0x19640] =	vst v63  }
0x108: {  	_ =	swait.ge [sflag:s6], $0x7D00  }
0x109: {  	[sflag:s6] =	ssyncset.done $0x0  }
0x10a: {  	[sflag:s6] =	ssyncadd.s32 $0xFFFF8300  }
0x10b: {  	[tilespmem:s13], [sflag:$0x2] =	stream.indirect.gather [hbm4b:s10+s11], $0x20, s20, s11, $0xb8;
	[tilespmem:$0x19640] =	vst v63  }
0x10c: {  	_ =	swait.ge [sflag:s14], $0x7D00  }
0x10d: {  	[sflag:s14] =	ssyncset.done $0x0  }
0x10e: {  	[sflag:s14] =	ssyncadd.s32 $0xFFFF8300  }
0x10f: {  	[spmem:s1] =	stream.indirect.scatter.add.bf16 [tilespmem:s12], [sflag:$0x3], $0x20, s21, s11, $0xb8;
	[tilespmem:$0x19640] =	vst v63  }
0x110: {  	_ =	swait.ge [sflag:s6], $0x7D00  }
0x111: {  	[sflag:s6] =	ssyncset.done $0x0  }
0x112: {  	[sflag:s6] =	ssyncadd.s32 $0xFFFF8300  }
0x113: {  	[tilespmem:s12], [sflag:$0x1] =	stream.indirect.gather [hbm4b:s10+s11], $0x20, s22, s11, $0xb8;
	[tilespmem:$0x19640] =	vst v63  }
0x114: {  	_ =	swait.ge [sflag:s16], $0x7D00  }
0x115: {  	[sflag:s16] =	ssyncset.done $0x0  }
0x116: {  	[sflag:s16] =	ssyncadd.s32 $0xFFFF8300  }
0x117: {  	[spmem:s1] =	stream.indirect.scatter.add.bf16 [tilespmem:s13], [sflag:$0x3], $0x20, s23, s11, $0xb8;
	[tilespmem:$0x19640] =	vst v63  }
0x118: {  	_ =	swait.ge [sflag:s6], $0x7D00  }
0x119: {  	[sflag:s6] =	ssyncset.done $0x0  }
0x11a: {  	[sflag:s6] =	ssyncadd.s32 $0xFFFF8300  }
0x11b: {  	[tilespmem:s13], [sflag:$0x2] =	stream.indirect.gather [hbm4b:s10+s11], $0x20, s24, s11, $0xb8;
	[tilespmem:$0x19640] =	vst v63  }
0x11c: {  	_ =	swait.ge [sflag:s14], $0x7D00  }
0x11d: {  	[sflag:s14] =	ssyncset.done $0x0  }
0x11e: {  	[sflag:s14] =	ssyncadd.s32 $0xFFFF8300  }
0x11f: {  	[spmem:s1] =	stream.indirect.scatter.add.bf16 [tilespmem:s12], [sflag:$0x3], $0x20, s25, s11, $0xb8;
	[tilespmem:$0x19640] =	vst v63  }
0x120: {  	_ =	swait.ge [sflag:s6], $0x7D00  }
0x121: {  	[sflag:s6] =	ssyncset.done $0x0  }
0x122: {  	[sflag:s6] =	ssyncadd.s32 $0xFFFF8300  }
0x123: {  	[tilespmem:s12], [sflag:$0x1] =	stream.indirect.gather [hbm4b:s10+s11], $0x20, s26, s11, $0xb8;
	[tilespmem:$0x19640] =	vst v63  }
0x124: {  	_ =	swait.ge [sflag:s16], $0x7D00  }
0x125: {  	[sflag:s16] =	ssyncset.done $0x0  }
0x126: {  	[sflag:s16] =	ssyncadd.s32 $0xFFFF8300  }
0x127: {  	[spmem:s1] =	stream.indirect.scatter.add.bf16 [tilespmem:s13], [sflag:$0x3], $0x20, s28, s11, $0xb8;
	[tilespmem:$0x19640] =	vst v63  }
0x128: {  	_ =	swait.ge [sflag:s6], $0x7D00  }
0x129: {  	[sflag:s6] =	ssyncset.done $0x0  }
0x12a: {  	[sflag:s6] =	ssyncadd.s32 $0xFFFF8300  }
0x12b: {  	[tilespmem:s13], [sflag:$0x2] =	stream.indirect.gather [hbm4b:s10+s11], $0x20, s29, s11, $0xb8;
	[tilespmem:$0x19640] =	vst v63  }
0x12c: {  	_ =	swait.ge [sflag:s14], $0x7D00  }
0x12d: {  	[sflag:s14] =	ssyncset.done $0x0  }
0x12e: {  	[sflag:s14] =	ssyncadd.s32 $0xFFFF8300  }
0x12f: {  	[spmem:s1] =	stream.indirect.scatter.add.bf16 [tilespmem:s12], [sflag:$0x3], $0x20, s30, s11, $0xb8;
	[tilespmem:$0x19640] =	vst v63  }
0x130: {  	_ =	swait.ge [sflag:s6], $0x7D00  }
0x131: {  	[sflag:s6] =	ssyncset.done $0x0  }
0x132: {  	[sflag:s6] =	ssyncadd.s32 $0xFFFF8300  }
0x133: {  	[tilespmem:s12], [sflag:$0x1] =	stream.indirect.gather [hbm4b:s10+s11], $0x20, s31, s11, $0xb8;
	[tilespmem:$0x19640] =	vst v63  }
0x134: {  	_ =	swait.ge [sflag:s16], $0x7D00  }
0x135: {  	[sflag:s16] =	ssyncset.done $0x0  }
0x136: {  	s3 =	simm.s32 $0x4268;
	[sflag:s16] =	ssyncadd.s32 $0xFFFF8300  }
0x137: {  	[spmem:s1] =	stream.indirect.scatter.add.bf16 [tilespmem:s13], [sflag:$0x3], $0x20, s3, s11, $0xb8;
	[tilespmem:$0x19640] =	vst v63  }
0x138: {  	_ =	swait.ge [sflag:s6], $0x7D00  }
0x139: {  	[sflag:s6] =	ssyncset.done $0x0  }
0x13a: {  	s3 =	simm.s32 $0x2328;
	[sflag:s6] =	ssyncadd.s32 $0xFFFF8300  }
0x13b: {  	[tilespmem:s13], [sflag:$0x2] =	stream.indirect.gather [hbm4b:s10+s11], $0x20, s3, s11, $0xb8;
	[tilespmem:$0x19640] =	vst v63  }
0x13c: {  	_ =	swait.ge [sflag:s14], $0x7D00  }
0x13d: {  	[sflag:s14] =	ssyncset.done $0x0  }
0x13e: {  	[sflag:s14] =	ssyncadd.s32 $0xFFFF8300  }
0x13f: {  	[spmem:s1] =	stream.indirect.scatter.add.bf16 [tilespmem:s12], [sflag:$0x3], $0x20, s5, s11, $0xb8;
	[tilespmem:$0x19640] =	vst v63  }
0x140: {  	_ =	swait.ge [sflag:s6], $0x7D00  }
0x141: {  	[sflag:s6] =	ssyncset.done $0x0  }
0x142: {  	[sflag:s6] =	ssyncadd.s32 $0xFFFF8300  }
0x143: {  	_ =	swait.ge [sflag:s16], $0x7D00  }
0x144: {  	[sflag:s16] =	ssyncset.done $0x0  }
0x145: {  	[sflag:s16] =	ssyncadd.s32 $0xFFFF8300  }
0x146: {  	[spmem:s1] =	stream.indirect.scatter.add.bf16 [tilespmem:s13], [sflag:$0x3], $0x20, s4, s11, $0xb8;
	[tilespmem:$0x19640] =	vst v63  }
0x147: {  	_ =	swait.ge [sflag:s6], $0x7D00  }
0x148: {  	[sflag:s6] =	ssyncset.done $0x0  }
0x149: {  	s17 =	rddreg [dreg:$0x7];
	[sflag:s6] =	ssyncadd.s32 $0xFFFF8300  }
0x14a: {  	[tilespmem:s7], [sflag:$0x3] =	stream.linear.gather [hbm4b:s17+s7], $0x2710, $0x38;
	[tilespmem:$0x19640] =	vst v63  }
0x14b: {  	_ =	swait.ge [sflag:s6], $0x2710  }
0x14c: {  	[sflag:s6] =	ssyncset.done $0x0  }
0x14d: {  	s17 =	rddreg [dreg:$0x8];
	[sflag:s6] =	ssyncadd.s32 $0xFFFFD8F0  }
0x14e: {  	[tilespmem:s0], [sflag:$0x3] =	stream.linear.gather [hbm4b:s17+s7], $0x2710, $0x38;
	[tilespmem:$0x19640] =	vst v63  }
0x14f: {  	_ =	swait.ge [sflag:s6], $0x2710  }
0x150: {  	[sflag:s6] =	ssyncset.done $0x0  }
0x151: {  	[sflag:s6] =	ssyncadd.s32 $0xFFFFD8F0  }
0x152: {  	[tilespmem:s12], [sflag:$0x1] =	stream.indirect.gather [hbm4b:s10+s11], $0x20, s7, s11, $0xb8;
	[tilespmem:$0x19640] =	vst v63  }
0x153: {  	_ = 	snop  }
0x154: {  	[tilespmem:s13], [sflag:$0x2] =	stream.indirect.gather [hbm4b:s10+s11], $0x20, s11, s11, $0xb8;
	[tilespmem:$0x19640] =	vst v63  }
0x155: {  	_ =	swait.ge [sflag:s14], $0x7D00  }
0x156: {  	[sflag:s14] =	ssyncset.done $0x0  }
0x157: {  	[sflag:s14] =	ssyncadd.s32 $0xFFFF8300  }
0x158: {  	[spmem:s1] =	stream.indirect.scatter.add.bf16 [tilespmem:s12], [sflag:$0x3], $0x20, s0, s11, $0xb8;
	[tilespmem:$0x19640] =	vst v63  }
0x159: {  	_ =	swait.ge [sflag:s6], $0x7D00  }
0x15a: {  	[sflag:s6] =	ssyncset.done $0x0  }
0x15b: {  	[sflag:s6] =	ssyncadd.s32 $0xFFFF8300  }
0x15c: {  	[tilespmem:s12], [sflag:$0x1] =	stream.indirect.gather [hbm4b:s10+s11], $0x20, s18, s11, $0xb8;
	[tilespmem:$0x19640] =	vst v63  }
0x15d: {  	_ =	swait.ge [sflag:s16], $0x7D00  }
0x15e: {  	[sflag:s16] =	ssyncset.done $0x0  }
0x15f: {  	[sflag:s16] =	ssyncadd.s32 $0xFFFF8300  }
0x160: {  	[spmem:s1] =	stream.indirect.scatter.add.bf16 [tilespmem:s13], [sflag:$0x3], $0x20, s19, s11, $0xb8;
	[tilespmem:$0x19640] =	vst v63  }
0x161: {  	_ =	swait.ge [sflag:s6], $0x7D00  }
0x162: {  	[sflag:s6] =	ssyncset.done $0x0  }
0x163: {  	[sflag:s6] =	ssyncadd.s32 $0xFFFF8300  }
0x164: {  	[tilespmem:s13], [sflag:$0x2] =	stream.indirect.gather [hbm4b:s10+s11], $0x20, s20, s11, $0xb8;
	[tilespmem:$0x19640] =	vst v63  }
0x165: {  	_ =	swait.ge [sflag:s14], $0x7D00  }
0x166: {  	[sflag:s14] =	ssyncset.done $0x0  }
0x167: {  	[sflag:s14] =	ssyncadd.s32 $0xFFFF8300  }
0x168: {  	[spmem:s1] =	stream.indirect.scatter.add.bf16 [tilespmem:s12], [sflag:$0x3], $0x20, s21, s11, $0xb8;
	[tilespmem:$0x19640] =	vst v63  }
0x169: {  	_ =	swait.ge [sflag:s6], $0x7D00  }
0x16a: {  	[sflag:s6] =	ssyncset.done $0x0  }
0x16b: {  	[sflag:s6] =	ssyncadd.s32 $0xFFFF8300  }
0x16c: {  	[tilespmem:s12], [sflag:$0x1] =	stream.indirect.gather [hbm4b:s10+s11], $0x20, s22, s11, $0xb8;
	[tilespmem:$0x19640] =	vst v63  }
0x16d: {  	_ =	swait.ge [sflag:s16], $0x7D00  }
0x16e: {  	[sflag:s16] =	ssyncset.done $0x0  }
0x16f: {  	[sflag:s16] =	ssyncadd.s32 $0xFFFF8300  }
0x170: {  	[spmem:s1] =	stream.indirect.scatter.add.bf16 [tilespmem:s13], [sflag:$0x3], $0x20, s23, s11, $0xb8;
	[tilespmem:$0x19640] =	vst v63  }
0x171: {  	_ =	swait.ge [sflag:s6], $0x7D00  }
0x172: {  	[sflag:s6] =	ssyncset.done $0x0  }
0x173: {  	[sflag:s6] =	ssyncadd.s32 $0xFFFF8300  }
0x174: {  	[tilespmem:s13], [sflag:$0x2] =	stream.indirect.gather [hbm4b:s10+s11], $0x20, s24, s11, $0xb8;
	[tilespmem:$0x19640] =	vst v63  }
0x175: {  	_ =	swait.ge [sflag:s14], $0x7D00  }
0x176: {  	[sflag:s14] =	ssyncset.done $0x0  }
0x177: {  	[sflag:s14] =	ssyncadd.s32 $0xFFFF8300  }
0x178: {  	[spmem:s1] =	stream.indirect.scatter.add.bf16 [tilespmem:s12], [sflag:$0x3], $0x20, s25, s11, $0xb8;
	[tilespmem:$0x19640] =	vst v63  }
0x179: {  	_ =	swait.ge [sflag:s6], $0x7D00  }
0x17a: {  	[sflag:s6] =	ssyncset.done $0x0  }
0x17b: {  	[sflag:s6] =	ssyncadd.s32 $0xFFFF8300  }
0x17c: {  	[tilespmem:s12], [sflag:$0x1] =	stream.indirect.gather [hbm4b:s10+s11], $0x20, s26, s11, $0xb8;
	[tilespmem:$0x19640] =	vst v63  }
0x17d: {  	_ =	swait.ge [sflag:s16], $0x7D00  }
0x17e: {  	[sflag:s16] =	ssyncset.done $0x0  }
0x17f: {  	[sflag:s16] =	ssyncadd.s32 $0xFFFF8300  }
0x180: {  	[spmem:s1] =	stream.indirect.scatter.add.bf16 [tilespmem:s13], [sflag:$0x3], $0x20, s28, s11, $0xb8;
	[tilespmem:$0x19640] =	vst v63  }
0x181: {  	_ =	swait.ge [sflag:s6], $0x7D00  }
0x182: {  	[sflag:s6] =	ssyncset.done $0x0  }
0x183: {  	[sflag:s6] =	ssyncadd.s32 $0xFFFF8300  }
0x184: {  	[tilespmem:s13], [sflag:$0x2] =	stream.indirect.gather [hbm4b:s10+s11], $0x20, s29, s11, $0xb8;
	[tilespmem:$0x19640] =	vst v63  }
0x185: {  	_ =	swait.ge [sflag:s14], $0x7D00  }
0x186: {  	[sflag:s14] =	ssyncset.done $0x0  }
0x187: {  	[sflag:s14] =	ssyncadd.s32 $0xFFFF8300  }
0x188: {  	[spmem:s1] =	stream.indirect.scatter.add.bf16 [tilespmem:s12], [sflag:$0x3], $0x20, s30, s11, $0xb8;
	[tilespmem:$0x19640] =	vst v63  }
0x189: {  	_ =	swait.ge [sflag:s6], $0x7D00  }
0x18a: {  	[sflag:s6] =	ssyncset.done $0x0  }
0x18b: {  	[sflag:s6] =	ssyncadd.s32 $0xFFFF8300  }
0x18c: {  	[tilespmem:s12], [sflag:$0x1] =	stream.indirect.gather [hbm4b:s10+s11], $0x20, s31, s11, $0xb8;
	[tilespmem:$0x19640] =	vst v63  }
0x18d: {  	_ =	swait.ge [sflag:s16], $0x7D00  }
0x18e: {  	[sflag:s16] =	ssyncset.done $0x0  }
0x18f: {  	s17 =	simm.s32 $0x4268;
	[sflag:s16] =	ssyncadd.s32 $0xFFFF8300  }
0x190: {  	[spmem:s1] =	stream.indirect.scatter.add.bf16 [tilespmem:s13], [sflag:$0x3], $0x20, s17, s11, $0xb8;
	[tilespmem:$0x19640] =	vst v63  }
0x191: {  	_ =	swait.ge [sflag:s6], $0x7D00  }
0x192: {  	[sflag:s6] =	ssyncset.done $0x0  }
0x193: {  	[sflag:s6] =	ssyncadd.s32 $0xFFFF8300  }
0x194: {  	[tilespmem:s13], [sflag:$0x2] =	stream.indirect.gather [hbm4b:s10+s11], $0x20, s3, s11, $0xb8;
	[tilespmem:$0x19640] =	vst v63  }
0x195: {  	_ =	swait.ge [sflag:s14], $0x7D00  }
0x196: {  	[sflag:s14] =	ssyncset.done $0x0  }
0x197: {  	[sflag:s14] =	ssyncadd.s32 $0xFFFF8300  }
0x198: {  	[spmem:s1] =	stream.indirect.scatter.add.bf16 [tilespmem:s12], [sflag:$0x3], $0x20, s5, s11, $0xb8;
	[tilespmem:$0x19640] =	vst v63  }
0x199: {  	_ =	swait.ge [sflag:s6], $0x7D00  }
0x19a: {  	[sflag:s6] =	ssyncset.done $0x0  }
0x19b: {  	[sflag:s6] =	ssyncadd.s32 $0xFFFF8300  }
0x19c: {  	_ =	swait.ge [sflag:s16], $0x7D00  }
0x19d: {  	[sflag:s16] =	ssyncset.done $0x0  }
0x19e: {  	[sflag:s16] =	ssyncadd.s32 $0xFFFF8300  }
0x19f: {  	[spmem:s1] =	stream.indirect.scatter.add.bf16 [tilespmem:s13], [sflag:$0x3], $0x20, s4, s11, $0xb8;
	[tilespmem:$0x19640] =	vst v63  }
0x1a0: {  	_ =	swait.ge [sflag:s6], $0x7D00  }
0x1a1: {  	[sflag:s6] =	ssyncset.done $0x0  }
0x1a2: {  	[sflag:s6] =	ssyncadd.s32 $0xFFFF8300  }
0x1a3: {  	[bflag:$0x0] =	sbarrier.arrive $0xFFFF  }
0x1a4: {  	s15 =	sadd.s32 $0xFFFFFFFF, s15;
	s3 =	rddreg [dreg:$0x9]  }
0x1a5: {  	[hbm:s3], [sflag:s2] =	dma.local [spmem:s8], $0x9C0  }
0x1a6: {  	p1 =	sne.s32 s15, $0x0;
	_ =	swait.ge [sflag:s6], $0x9C0  }
.Ltmp1:
0x1a7: {  	[sflag:s6] =	ssyncset.done $0x0;
	(pc) =	sbr.rel @p1 .LBB2_2-.Ltmp1, $4  }
0x1a8: {  	s17 =	rddreg [dreg:$0xa];
	[sflag:s6] =	ssyncadd.s32 $0xFFFFF640  }
0x1a9: {  	[hbm:s17], [sflag:s2] =	dma.local @!p0 [spmem:s9], $0x40  }
0x1aa: {  	s9 =	simm.s32 @!p0 $0x3  }
0x1ab: {  	_ =	swait.ge @!p0 [sflag:s9], $0x40  }
.LBB2_3:
0x1ac: {  	[sflag:s9] =	ssyncset.done @!p0 $0x0  }
0x1ad: {  	[sflag:s9] =	ssyncadd.s32 @!p0 $0xFFFFFFC0  }
0x1ae: {  	_ =	sfence.sel $0x180000  }
0x1af: {  	[bflag:$0x0] =	sbarrier.arrive $0xFFFF  }
0x1b0: {  	_ =	strace $0x9000004A  }
0x1b1: {  	[bflag:$0x2] =	sbarrier.arrive $0xFFFF  }
0x1b2: {  	s0 =	rddreg [dreg:$0x3]  }
0x1b3: {  	s0 =	sadd.s32 @!p0 $0x100000, s0  }
0x1b4: {  	[sflag:s0] =	ssyncadd.tile.s32 @!p0 $0x1;
	_ =	shalt  }
.Lfunc_end2:
_tile_overlayer_lowered:
.L_overlay_start_2:
0x1b5: {  	(tag) =	ssettag $0x2  }
0x1b6: {  	s0 =	rddreg [dreg:$0x0];
	s2 =	stileid.u32  }
0x1b7: {  	s1 =	rddreg [dreg:$0x1];
	p0 =	sne.s32 s2, $0x0  }
0x1b8: {  	s3 =	rddreg [dreg:$0x2];
	[bflag:$0x3] =	sbarrier.arrive $0xFFFF;
	s2 =	simm.s32 @!p0 $0x1C03  }
0x1b9: {  	[timem:s3], [sflag:s2] =	dma.local @!p0 [hbm:s0], s1  }
0x1ba: {  	s0 =	simm.s32 @!p0 $0x3  }
0x1bb: {  	_ =	swait.ge @!p0 [sflag:s0], s1  }
0x1bc: {  	s1 =	ssub.s32 @!p0 $0x0, s1;
	[sflag:s0] =	ssyncset.done @!p0 $0x0  }
0x1bd: {  	[sflag:s0] =	ssyncadd.s32 @!p0 s1  }
0x1be: {  	[bflag:$0x3] =	sbarrier.arrive $0xFFFF  }
0x1bf: {  	_ =	shalt  }

</sc_bundles>
